<compile_context>
chip_gen: v7x
topology: tpu7x:2x2x1
jax: 0.10.2.dev20260603
libtpu: 0.0.44.dev20260713+nightly
codegen_flags: <defaults>
</compile_context>

<pallas_src>
import functools

import jax
import jax.numpy as jnp
from jax import lax
from jax.experimental import pallas as pl
from jax.experimental.pallas import tpu as pltpu
from jax.experimental.pallas import tpu_sc as plsc

N, E, DIN, DH, DOUT = 10000, 320000, 128, 128, 64

NC, NS = 2, 16
NW = NC * NS
C = 128
CH = 79
EPW = CH * C
E_PAD = EPW * NW
N_PAD = 10112
ROWS_PER_TILE = N_PAD // NS


def _sc_segment_sum(h, src_p, dst_p, zinit):
    mesh = plsc.VectorSubcoreMesh(core_axis_name="c", subcore_axis_name="s")

    @functools.partial(
        pl.kernel,
        out_type=jax.ShapeDtypeStruct((NC, N_PAD, DH), jnp.float32),
        mesh=mesh,
        scratch_types=[
            pltpu.VMEM((C,), jnp.int32),
            pltpu.VMEM((C,), jnp.int32),
            pltpu.VMEM((C, DH), jnp.float32),
            pltpu.VMEM_SHARED((N_PAD, DH), jnp.float32),
            pltpu.SemaphoreType.DMA,
        ],
    )
    def k(h_hbm, src_hbm, dst_hbm, z_hbm, out_hbm, sidx, didx, rows, acc, sem):
        cid = lax.axis_index("c")
        sid = lax.axis_index("s")
        wid = sid * NC + cid
        r0 = sid * ROWS_PER_TILE
        pltpu.sync_copy(z_hbm.at[pl.ds(r0, ROWS_PER_TILE)],
                        acc.at[pl.ds(r0, ROWS_PER_TILE)])
        plsc.subcore_barrier()

        def body(i, carry):
            off = wid * EPW + i * C
            pltpu.sync_copy(src_hbm.at[pl.ds(off, C)], sidx)
            pltpu.sync_copy(dst_hbm.at[pl.ds(off, C)], didx)
            pltpu.async_copy(h_hbm.at[sidx], rows, sem).wait()
            pltpu.sync_copy(rows, acc.at[didx], add=True)
            return carry

        lax.fori_loop(0, CH, body, 0)
        plsc.subcore_barrier()
        pltpu.sync_copy(acc.at[pl.ds(r0, ROWS_PER_TILE)],
                        out_hbm.at[cid, pl.ds(r0, ROWS_PER_TILE)])

    return k(h, src_p, dst_p, zinit)


def _tc_layer(h, parts, W1, b1, W2, b2, g, be):

    def body(h_ref, p_ref, W1_ref, b1_ref, W2_ref, b2_ref, g_ref, be_ref, o_ref):
        agg = p_ref[0, :N, :] + p_ref[1, :N, :]
        h2 = h_ref[...] + agg
        a1 = jnp.maximum(
            jnp.dot(h2, W1_ref[...], preferred_element_type=jnp.float32)
            + b1_ref[...], 0.0)
        a2 = jnp.dot(a1, W2_ref[...], preferred_element_type=jnp.float32) \
            + b2_ref[...]
        a3 = jnp.maximum(a2, 0.0)
        mean = jnp.mean(a3, axis=0, keepdims=True)
        var = jnp.mean((a3 - mean) ** 2, axis=0, keepdims=True)
        o_ref[...] = g_ref[...] * (a3 - mean) * lax.rsqrt(var + 1e-5) \
            + be_ref[...]

    return pl.pallas_call(
        body,
        out_shape=jax.ShapeDtypeStruct((N, DH), jnp.float32),
    )(h, parts, W1, b1.reshape(1, DH), W2, b2.reshape(1, DH),
      g.reshape(1, DH), be.reshape(1, DH))


def _tc_head(h, fc1_W, fc1_b, fc2_W, fc2_b):
    def body(h_ref, W1_ref, b1_ref, W2_ref, b2_ref, o_ref):
        a1 = jnp.maximum(
            jnp.dot(h_ref[...], W1_ref[...], preferred_element_type=jnp.float32)
            + b1_ref[...], 0.0)
        z = jnp.dot(a1, W2_ref[...], preferred_element_type=jnp.float32) \
            + b2_ref[...]
        m = jnp.max(z, axis=-1, keepdims=True)
        ez = jnp.exp(z - m)
        lse = jnp.log(jnp.sum(ez, axis=-1, keepdims=True)) + m
        o_ref[...] = z - lse

    return pl.pallas_call(
        body,
        out_shape=jax.ShapeDtypeStruct((N, DOUT), jnp.float32),
    )(h, fc1_W, fc1_b.reshape(1, DH), fc2_W, fc2_b.reshape(1, DOUT))


def kernel(x, edge_index, l1_W1, l1_b1, l1_W2, l1_b2, l1_g, l1_be, l2_W1, l2_b1, l2_W2, l2_b2, l2_g, l2_be, l3_W1, l3_b1, l3_W2, l3_b2, l3_g, l3_be, fc1_W, fc1_b, fc2_W, fc2_b):
    pad = E_PAD - E
    src_p = jnp.concatenate([edge_index[0], jnp.zeros((pad,), jnp.int32)])
    junk = N + jnp.arange(pad, dtype=jnp.int32) % (N_PAD - N)
    dst_p = jnp.concatenate([edge_index[1], junk])
    zinit = jnp.zeros((N_PAD, DH), jnp.float32)

    layers = [
        (l1_W1, l1_b1, l1_W2, l1_b2, l1_g, l1_be),
        (l2_W1, l2_b1, l2_W2, l2_b2, l2_g, l2_be),
        (l3_W1, l3_b1, l3_W2, l3_b2, l3_g, l3_be),
    ]
    h = x
    for (W1, b1, W2, b2, g, be) in layers:
        parts = _sc_segment_sum(h, src_p, dst_p, zinit)
        h = _tc_layer(h, parts, W1, b1, W2, b2, g, be)
    return _tc_head(h, fc1_W, fc1_b, fc2_W, fc2_b)

# --- scband reference (transcript-rebuilt; emitter-appended) ---
"""Pipeline reference for scband-gin-2121713844488 (READ-ONLY COPY).

The authoritative reference and input builder live on the scoring server;
editing this copy changes nothing except your own understanding.
"""

import jax, jax.numpy as jnp
import numpy as np

N, E, DIN, DH, DOUT = 10000, 320000, 128, 128, 64


def setup_inputs(seed: int = 0):
    key = jax.random.key(seed)
    ks = jax.random.split(key, 16)
    inp = {}
    inp["x"] = jax.random.normal(ks[0], (N, DIN), dtype=jnp.float32)
    inp["edge_index"] = jax.random.randint(ks[1], (2, E), 0, N, dtype=jnp.int32)
    i = 2
    for l in (1, 2, 3):
        din = DIN if l == 1 else DH
        inp["l%d_W1" % l] = jax.random.normal(ks[i], (din, DH), dtype=jnp.float32) / np.sqrt(din); i += 1
        inp["l%d_b1" % l] = jnp.zeros((DH,), jnp.float32)
        inp["l%d_W2" % l] = jax.random.normal(ks[i], (DH, DH), dtype=jnp.float32) / np.sqrt(DH); i += 1
        inp["l%d_b2" % l] = jnp.zeros((DH,), jnp.float32)
        inp["l%d_g" % l] = jnp.ones((DH,), jnp.float32)
        inp["l%d_be" % l] = jnp.zeros((DH,), jnp.float32)
    inp["fc1_W"] = jax.random.normal(ks[i], (DH, DH), dtype=jnp.float32) / np.sqrt(DH); i += 1
    inp["fc1_b"] = jnp.zeros((DH,), jnp.float32)
    inp["fc2_W"] = jax.random.normal(ks[i], (DH, DOUT), dtype=jnp.float32) / np.sqrt(DH)
    inp["fc2_b"] = jnp.zeros((DOUT,), jnp.float32)
    return inp


def _bn(h, g, b):
    # BatchNorm1d in training mode: biased batch statistics (matches torch normalization)
    mean = jnp.mean(h, axis=0)
    var = jnp.var(h, axis=0)
    return g * (h - mean) * jax.lax.rsqrt(var + 1e-5) + b


def _forward(x, edge_index, layers, fc1_W, fc1_b, fc2_W, fc2_b):
    src = edge_index[0]
    dst = edge_index[1]
    h = x
    for (W1, b1, W2, b2, g, be) in layers:
        # GINConv (eps=0): out = MLP((1+eps)*x + sum_{j in N(i)} x_j)
        agg = jax.ops.segment_sum(h[src], dst, num_segments=N)
        h2 = h + agg
        h2 = jnp.maximum(h2 @ W1 + b1, 0.0) @ W2 + b2
        h2 = jnp.maximum(h2, 0.0)  # outer F.relu
        h = _bn(h2, g, be)
    h = jnp.maximum(h @ fc1_W + fc1_b, 0.0)
    # dropout treated as identity for determinism
    h = h @ fc2_W + fc2_b
    return jax.nn.log_softmax(h, axis=-1)


def reference(x, edge_index, l1_W1, l1_b1, l1_W2, l1_b2, l1_g, l1_be, l2_W1, l2_b1, l2_W2, l2_b2, l2_g, l2_be, l3_W1, l3_b1, l3_W2, l3_b2, l3_g, l3_be, fc1_W, fc1_b, fc2_W, fc2_b):
    layers = [
        (l1_W1, l1_b1, l1_W2, l1_b2, l1_g, l1_be),
        (l2_W1, l2_b1, l2_W2, l2_b2, l2_g, l2_be),
        (l3_W1, l3_b1, l3_W2, l3_b2, l3_g, l3_be),
    ]
    return _forward(x, edge_index, layers, fc1_W, fc1_b, fc2_W, fc2_b)

if __name__ == "__main__":
    import jax
    _d = setup_inputs()
    print(jax.jit(kernel)(*tuple(_d.values())))

</pallas_src>

<mosaic_0001>
#map = affine_map<(d0, d1) -> (0, 0)>
#map1 = affine_map<(d0, d1) -> (0)>
#map2 = affine_map<(d0, d1) -> (0, 0, 0)>
module attributes {stable_mosaic.version = 14 : i64} {
  func.func @k(%arg0: i32, %arg1: i32, %arg2: memref<10000x128xf32, #tpu.memory_space<hbm>>, %arg3: memref<323584xi32, #tpu.memory_space<hbm>>, %arg4: memref<323584xi32, #tpu.memory_space<hbm>>, %arg5: memref<10112x128xf32, #tpu.memory_space<hbm>>, %arg6: memref<2x10112x128xf32, #tpu.memory_space<hbm>>, %arg7: memref<128xi32, #tpu.memory_space<vmem>>, %arg8: memref<128xi32, #tpu.memory_space<vmem>>, %arg9: memref<128x128xf32, #tpu.memory_space<vmem>>, %arg10: memref<10112x128xf32, #tpu.memory_space<vmem_shared>>, %arg11: memref<!tpu.dma_semaphore, #tpu.memory_space<semaphore_mem>>) attributes {dimension_semantics = [#tpu.dimension_semantics<core_parallel>, #tpu.dimension_semantics<subcore_parallel>], iteration_bounds = array<i64: 2, 16>, scalar_prefetch = 0 : i64, scratch_operands = 5 : i64, tpu.core_type = #tpu.core_type<sc_vector_subcore>, window_params = [{transform_indices = #map}, {transform_indices = #map1}, {transform_indices = #map1}, {transform_indices = #map}, {transform_indices = #map2}]} {
    %mul3A = arith.constant 2 : i32
    %mul3A_0 = arith.muli %arg1, %mul3A : i32
    %add3A = arith.addi %mul3A_0, %arg0 : i32
    %mul3A_1 = arith.constant 632 : i32
    %mul3A_2 = arith.muli %arg1, %mul3A_1 : i32
    "tpu.region"() ({
      %run_scoped3A = tpu.sem_alloc : memref<!tpu.dma_semaphore, #tpu.memory_space<semaphore_mem>>
      %dma_start3A = arith.constant 0 : i32
      %dma_start3A_9 = tpu.memref_slice %arg10[%mul3A_2, %dma_start3A] : memref<10112x128xf32, #tpu.memory_space<vmem_shared>> -> memref<632x128xf32, #tpu.memory_space<vmem_shared>>
      %dma_start3A_10 = arith.constant 0 : i32
      %dma_start3A_11 = tpu.memref_slice %arg5[%mul3A_2, %dma_start3A_10] : memref<10112x128xf32, #tpu.memory_space<hbm>> -> memref<632x128xf32, #tpu.memory_space<hbm>>
      tpu.enqueue_dma source(%dma_start3A_11 : memref<632x128xf32, #tpu.memory_space<hbm>>) target(%dma_start3A_9 : memref<632x128xf32, #tpu.memory_space<vmem_shared>>) target_semaphore(%run_scoped3A : memref<!tpu.dma_semaphore, #tpu.memory_space<semaphore_mem>>)
      %dma_wait3A = arith.constant 0 : i32
      %dma_wait3A_12 = tpu.memref_slice %arg10[%mul3A_2, %dma_wait3A] : memref<10112x128xf32, #tpu.memory_space<vmem_shared>> -> memref<632x128xf32, #tpu.memory_space<vmem_shared>>
      %dma_wait3A_13 = arith.constant 0 : i32
      %dma_wait3A_14 = tpu.memref_slice %arg5[%mul3A_2, %dma_wait3A_13] : memref<10112x128xf32, #tpu.memory_space<hbm>> -> memref<632x128xf32, #tpu.memory_space<hbm>>
      tpu.wait_dma2 semaphore(%run_scoped3A : memref<!tpu.dma_semaphore, #tpu.memory_space<semaphore_mem>>) src(%dma_wait3A_14 : memref<632x128xf32, #tpu.memory_space<hbm>>) dst(%dma_wait3A_12 : memref<632x128xf32, #tpu.memory_space<vmem_shared>>)
      tpu.yield
    }) : () -> ()
    %barrier3A = arith.constant 0 : index
    tpu.barrier barrier_id(%barrier3A)
    %scan3A = arith.constant 0 : i32
    %scan3A_3 = arith.constant 0 : i32
    %scan3A_4 = arith.constant 79 : i32
    %scan3A_5 = arith.addi %scan3A_3, %scan3A_4 : i32
    %scan3A_6 = arith.constant 1 : i32
    scf.for %scan3A_9 = %scan3A_3 to %scan3A_5 step %scan3A_6  : i32 {
      %mul3A_10 = arith.constant 10112 : i32
      %mul3A_11 = arith.muli %add3A, %mul3A_10 : i32
      %mul3A_12 = arith.constant 128 : i32
      %mul3A_13 = arith.muli %scan3A_9, %mul3A_12 : i32
      %add3A_14 = arith.addi %mul3A_11, %mul3A_13 : i32
      "tpu.region"() ({
        %run_scoped3A = tpu.sem_alloc : memref<!tpu.dma_semaphore, #tpu.memory_space<semaphore_mem>>
        %dma_start3A_19 = tpu.memref_slice %arg3[%add3A_14] : memref<323584xi32, #tpu.memory_space<hbm>> -> memref<128xi32, #tpu.memory_space<hbm>>
        %dma_start3A_20 = tpu.memref_slice %arg3[%add3A_14] : memref<323584xi32, #tpu.memory_space<hbm>> -> memref<128xi32, #tpu.memory_space<hbm>>
        tpu.enqueue_dma source(%dma_start3A_20 : memref<128xi32, #tpu.memory_space<hbm>>) target(%arg7 : memref<128xi32, #tpu.memory_space<vmem>>) target_semaphore(%run_scoped3A : memref<!tpu.dma_semaphore, #tpu.memory_space<semaphore_mem>>)
        %dma_wait3A_21 = tpu.memref_slice %arg3[%add3A_14] : memref<323584xi32, #tpu.memory_space<hbm>> -> memref<128xi32, #tpu.memory_space<hbm>>
        %dma_wait3A_22 = tpu.memref_slice %arg3[%add3A_14] : memref<323584xi32, #tpu.memory_space<hbm>> -> memref<128xi32, #tpu.memory_space<hbm>>
        tpu.wait_dma2 semaphore(%run_scoped3A : memref<!tpu.dma_semaphore, #tpu.memory_space<semaphore_mem>>) src(%dma_wait3A_22 : memref<128xi32, #tpu.memory_space<hbm>>) dst(%arg7 : memref<128xi32, #tpu.memory_space<vmem>>)
        tpu.yield
      }) : () -> ()
      "tpu.region"() ({
        %run_scoped3A = tpu.sem_alloc : memref<!tpu.dma_semaphore, #tpu.memory_space<semaphore_mem>>
        %dma_start3A_19 = tpu.memref_slice %arg4[%add3A_14] : memref<323584xi32, #tpu.memory_space<hbm>> -> memref<128xi32, #tpu.memory_space<hbm>>
        %dma_start3A_20 = tpu.memref_slice %arg4[%add3A_14] : memref<323584xi32, #tpu.memory_space<hbm>> -> memref<128xi32, #tpu.memory_space<hbm>>
        tpu.enqueue_dma source(%dma_start3A_20 : memref<128xi32, #tpu.memory_space<hbm>>) target(%arg8 : memref<128xi32, #tpu.memory_space<vmem>>) target_semaphore(%run_scoped3A : memref<!tpu.dma_semaphore, #tpu.memory_space<semaphore_mem>>)
        %dma_wait3A_21 = tpu.memref_slice %arg4[%add3A_14] : memref<323584xi32, #tpu.memory_space<hbm>> -> memref<128xi32, #tpu.memory_space<hbm>>
        %dma_wait3A_22 = tpu.memref_slice %arg4[%add3A_14] : memref<323584xi32, #tpu.memory_space<hbm>> -> memref<128xi32, #tpu.memory_space<hbm>>
        tpu.wait_dma2 semaphore(%run_scoped3A : memref<!tpu.dma_semaphore, #tpu.memory_space<semaphore_mem>>) src(%dma_wait3A_22 : memref<128xi32, #tpu.memory_space<hbm>>) dst(%arg8 : memref<128xi32, #tpu.memory_space<vmem>>)
        tpu.yield
      }) : () -> ()
      %dma_start3A = arith.constant 0 : i32
      %dma_start3A_15 = arith.constant 0 : i32
      %dma_start3A_16 = tpu.memref_slice %arg2[%dma_start3A, %dma_start3A_15] : memref<10000x128xf32, #tpu.memory_space<hbm>> -> memref<10000x128xf32, #tpu.memory_space<hbm>>
      tpu.enqueue_indirect_dma source(%dma_start3A_16 : memref<10000x128xf32, #tpu.memory_space<hbm>>) target(%arg9 : memref<128x128xf32, #tpu.memory_space<vmem>>) offsets(%arg7 : memref<128xi32, #tpu.memory_space<vmem>>) semaphore(%arg11 : memref<!tpu.dma_semaphore, #tpu.memory_space<semaphore_mem>>)
      %dma_wait3A = arith.constant 0 : i32
      %dma_wait3A_17 = arith.constant 0 : i32
      %dma_wait3A_18 = tpu.memref_slice %arg2[%dma_wait3A, %dma_wait3A_17] : memref<10000x128xf32, #tpu.memory_space<hbm>> -> memref<10000x128xf32, #tpu.memory_space<hbm>>
      tpu.wait_indirect_dma semaphore(%arg11 : memref<!tpu.dma_semaphore, #tpu.memory_space<semaphore_mem>>) src(%dma_wait3A_18 : memref<10000x128xf32, #tpu.memory_space<hbm>>) dst(%arg9 : memref<128x128xf32, #tpu.memory_space<vmem>>)
      "tpu.region"() ({
        %run_scoped3A = tpu.sem_alloc : memref<!tpu.dma_semaphore, #tpu.memory_space<semaphore_mem>>
        %dma_start3A_19 = arith.constant 0 : i32
        %dma_start3A_20 = arith.constant 0 : i32
        %dma_start3A_21 = tpu.memref_slice %arg10[%dma_start3A_19, %dma_start3A_20] : memref<10112x128xf32, #tpu.memory_space<vmem_shared>> -> memref<10112x128xf32, #tpu.memory_space<vmem_shared>>
        tpu.enqueue_indirect_dma source(%arg9 : memref<128x128xf32, #tpu.memory_space<vmem>>) target(%dma_start3A_21 : memref<10112x128xf32, #tpu.memory_space<vmem_shared>>) offsets(%arg8 : memref<128xi32, #tpu.memory_space<vmem>>) semaphore(%run_scoped3A : memref<!tpu.dma_semaphore, #tpu.memory_space<semaphore_mem>>) {add = true}
        %dma_wait3A_22 = arith.constant 0 : i32
        %dma_wait3A_23 = arith.constant 0 : i32
        %dma_wait3A_24 = tpu.memref_slice %arg10[%dma_wait3A_22, %dma_wait3A_23] : memref<10112x128xf32, #tpu.memory_space<vmem_shared>> -> memref<10112x128xf32, #tpu.memory_space<vmem_shared>>
        tpu.wait_indirect_dma semaphore(%run_scoped3A : memref<!tpu.dma_semaphore, #tpu.memory_space<semaphore_mem>>) src(%arg9 : memref<128x128xf32, #tpu.memory_space<vmem>>) dst(%dma_wait3A_24 : memref<10112x128xf32, #tpu.memory_space<vmem_shared>>)
        tpu.yield
      }) : () -> ()
    }
    %scan3A_7 = arith.constant 79 : i32
    %barrier3A_8 = arith.constant 0 : index
    tpu.barrier barrier_id(%barrier3A_8)
    "tpu.region"() ({
      %run_scoped3A = tpu.sem_alloc : memref<!tpu.dma_semaphore, #tpu.memory_space<semaphore_mem>>
      %dma_start3A = arith.constant 0 : i32
      %dma_start3A_9 = tpu.memref_slice %arg6[%arg0, %mul3A_2, %dma_start3A] : memref<2x10112x128xf32, #tpu.memory_space<hbm>> -> memref<1x632x128xf32, #tpu.memory_space<hbm>>
      %dma_start3A_10 = tpu.memref_squeeze %dma_start3A_9 : memref<1x632x128xf32, #tpu.memory_space<hbm>> -> memref<632x128xf32, #tpu.memory_space<hbm>>
      %dma_start3A_11 = arith.constant 0 : i32
      %dma_start3A_12 = tpu.memref_slice %arg10[%mul3A_2, %dma_start3A_11] : memref<10112x128xf32, #tpu.memory_space<vmem_shared>> -> memref<632x128xf32, #tpu.memory_space<vmem_shared>>
      tpu.enqueue_dma source(%dma_start3A_12 : memref<632x128xf32, #tpu.memory_space<vmem_shared>>) target(%dma_start3A_10 : memref<632x128xf32, #tpu.memory_space<hbm>>) target_semaphore(%run_scoped3A : memref<!tpu.dma_semaphore, #tpu.memory_space<semaphore_mem>>)
      %dma_wait3A = arith.constant 0 : i32
      %dma_wait3A_13 = tpu.memref_slice %arg6[%arg0, %mul3A_2, %dma_wait3A] : memref<2x10112x128xf32, #tpu.memory_space<hbm>> -> memref<1x632x128xf32, #tpu.memory_space<hbm>>
      %dma_wait3A_14 = tpu.memref_squeeze %dma_wait3A_13 : memref<1x632x128xf32, #tpu.memory_space<hbm>> -> memref<632x128xf32, #tpu.memory_space<hbm>>
      %dma_wait3A_15 = arith.constant 0 : i32
      %dma_wait3A_16 = tpu.memref_slice %arg10[%mul3A_2, %dma_wait3A_15] : memref<10112x128xf32, #tpu.memory_space<vmem_shared>> -> memref<632x128xf32, #tpu.memory_space<vmem_shared>>
      tpu.wait_dma2 semaphore(%run_scoped3A : memref<!tpu.dma_semaphore, #tpu.memory_space<semaphore_mem>>) src(%dma_wait3A_16 : memref<632x128xf32, #tpu.memory_space<vmem_shared>>) dst(%dma_wait3A_14 : memref<632x128xf32, #tpu.memory_space<hbm>>)
      tpu.yield
    }) : () -> ()
    return
  }
}

#map = affine_map<(d0, d1) -> (0, 0)>
#map1 = affine_map<(d0, d1) -> (0)>
#map2 = affine_map<(d0, d1) -> (0, 0, 0)>
module attributes {stable_mosaic.version = 14 : i64} {
  func.func @k(%arg0: i32, %arg1: i32, %arg2: memref<10000x128xf32, #tpu.memory_space<hbm>>, %arg3: memref<323584xi32, #tpu.memory_space<hbm>>, %arg4: memref<323584xi32, #tpu.memory_space<hbm>>, %arg5: memref<10112x128xf32, #tpu.memory_space<hbm>>, %arg6: memref<2x10112x128xf32, #tpu.memory_space<hbm>>, %arg7: memref<128xi32, #tpu.memory_space<vmem>>, %arg8: memref<128xi32, #tpu.memory_space<vmem>>, %arg9: memref<128x128xf32, #tpu.memory_space<vmem>>, %arg10: memref<10112x128xf32, #tpu.memory_space<vmem_shared>>, %arg11: memref<!tpu.dma_semaphore, #tpu.memory_space<semaphore_mem>>) attributes {dimension_semantics = [#tpu.dimension_semantics<core_parallel>, #tpu.dimension_semantics<subcore_parallel>], iteration_bounds = array<i64: 2, 16>, scalar_prefetch = 0 : i64, scratch_operands = 5 : i64, tpu.core_type = #tpu.core_type<sc_vector_subcore>, window_params = [{transform_indices = #map}, {transform_indices = #map1}, {transform_indices = #map1}, {transform_indices = #map}, {transform_indices = #map2}]} {
    %mul3A = arith.constant 2 : i32
    %mul3A_0 = arith.muli %arg1, %mul3A : i32
    %add3A = arith.addi %mul3A_0, %arg0 : i32
    %mul3A_1 = arith.constant 632 : i32
    %mul3A_2 = arith.muli %arg1, %mul3A_1 : i32
    "tpu.region"() ({
      %run_scoped3A = tpu.sem_alloc : memref<!tpu.dma_semaphore, #tpu.memory_space<semaphore_mem>>
      %dma_start3A = arith.constant 0 : i32
      %dma_start3A_9 = tpu.memref_slice %arg10[%mul3A_2, %dma_start3A] : memref<10112x128xf32, #tpu.memory_space<vmem_shared>> -> memref<632x128xf32, #tpu.memory_space<vmem_shared>>
      %dma_start3A_10 = arith.constant 0 : i32
      %dma_start3A_11 = tpu.memref_slice %arg5[%mul3A_2, %dma_start3A_10] : memref<10112x128xf32, #tpu.memory_space<hbm>> -> memref<632x128xf32, #tpu.memory_space<hbm>>
      tpu.enqueue_dma source(%dma_start3A_11 : memref<632x128xf32, #tpu.memory_space<hbm>>) target(%dma_start3A_9 : memref<632x128xf32, #tpu.memory_space<vmem_shared>>) target_semaphore(%run_scoped3A : memref<!tpu.dma_semaphore, #tpu.memory_space<semaphore_mem>>)
      %dma_wait3A = arith.constant 0 : i32
      %dma_wait3A_12 = tpu.memref_slice %arg10[%mul3A_2, %dma_wait3A] : memref<10112x128xf32, #tpu.memory_space<vmem_shared>> -> memref<632x128xf32, #tpu.memory_space<vmem_shared>>
      %dma_wait3A_13 = arith.constant 0 : i32
      %dma_wait3A_14 = tpu.memref_slice %arg5[%mul3A_2, %dma_wait3A_13] : memref<10112x128xf32, #tpu.memory_space<hbm>> -> memref<632x128xf32, #tpu.memory_space<hbm>>
      tpu.wait_dma2 semaphore(%run_scoped3A : memref<!tpu.dma_semaphore, #tpu.memory_space<semaphore_mem>>) src(%dma_wait3A_14 : memref<632x128xf32, #tpu.memory_space<hbm>>) dst(%dma_wait3A_12 : memref<632x128xf32, #tpu.memory_space<vmem_shared>>)
      tpu.yield
    }) : () -> ()
    %barrier3A = arith.constant 0 : index
    tpu.barrier barrier_id(%barrier3A)
    %scan3A = arith.constant 0 : i32
    %scan3A_3 = arith.constant 0 : i32
    %scan3A_4 = arith.constant 79 : i32
    %scan3A_5 = arith.addi %scan3A_3, %scan3A_4 : i32
    %scan3A_6 = arith.constant 1 : i32
    scf.for %scan3A_9 = %scan3A_3 to %scan3A_5 step %scan3A_6  : i32 {
      %mul3A_10 = arith.constant 10112 : i32
      %mul3A_11 = arith.muli %add3A, %mul3A_10 : i32
      %mul3A_12 = arith.constant 128 : i32
      %mul3A_13 = arith.muli %scan3A_9, %mul3A_12 : i32
      %add3A_14 = arith.addi %mul3A_11, %mul3A_13 : i32
      "tpu.region"() ({
        %run_scoped3A = tpu.sem_alloc : memref<!tpu.dma_semaphore, #tpu.memory_space<semaphore_mem>>
        %dma_start3A_19 = tpu.memref_slice %arg3[%add3A_14] : memref<323584xi32, #tpu.memory_space<hbm>> -> memref<128xi32, #tpu.memory_space<hbm>>
        %dma_start3A_20 = tpu.memref_slice %arg3[%add3A_14] : memref<323584xi32, #tpu.memory_space<hbm>> -> memref<128xi32, #tpu.memory_space<hbm>>
        tpu.enqueue_dma source(%dma_start3A_20 : memref<128xi32, #tpu.memory_space<hbm>>) target(%arg7 : memref<128xi32, #tpu.memory_space<vmem>>) target_semaphore(%run_scoped3A : memref<!tpu.dma_semaphore, #tpu.memory_space<semaphore_mem>>)
        %dma_wait3A_21 = tpu.memref_slice %arg3[%add3A_14] : memref<323584xi32, #tpu.memory_space<hbm>> -> memref<128xi32, #tpu.memory_space<hbm>>
        %dma_wait3A_22 = tpu.memref_slice %arg3[%add3A_14] : memref<323584xi32, #tpu.memory_space<hbm>> -> memref<128xi32, #tpu.memory_space<hbm>>
        tpu.wait_dma2 semaphore(%run_scoped3A : memref<!tpu.dma_semaphore, #tpu.memory_space<semaphore_mem>>) src(%dma_wait3A_22 : memref<128xi32, #tpu.memory_space<hbm>>) dst(%arg7 : memref<128xi32, #tpu.memory_space<vmem>>)
        tpu.yield
      }) : () -> ()
      "tpu.region"() ({
        %run_scoped3A = tpu.sem_alloc : memref<!tpu.dma_semaphore, #tpu.memory_space<semaphore_mem>>
        %dma_start3A_19 = tpu.memref_slice %arg4[%add3A_14] : memref<323584xi32, #tpu.memory_space<hbm>> -> memref<128xi32, #tpu.memory_space<hbm>>
        %dma_start3A_20 = tpu.memref_slice %arg4[%add3A_14] : memref<323584xi32, #tpu.memory_space<hbm>> -> memref<128xi32, #tpu.memory_space<hbm>>
        tpu.enqueue_dma source(%dma_start3A_20 : memref<128xi32, #tpu.memory_space<hbm>>) target(%arg8 : memref<128xi32, #tpu.memory_space<vmem>>) target_semaphore(%run_scoped3A : memref<!tpu.dma_semaphore, #tpu.memory_space<semaphore_mem>>)
        %dma_wait3A_21 = tpu.memref_slice %arg4[%add3A_14] : memref<323584xi32, #tpu.memory_space<hbm>> -> memref<128xi32, #tpu.memory_space<hbm>>
        %dma_wait3A_22 = tpu.memref_slice %arg4[%add3A_14] : memref<323584xi32, #tpu.memory_space<hbm>> -> memref<128xi32, #tpu.memory_space<hbm>>
        tpu.wait_dma2 semaphore(%run_scoped3A : memref<!tpu.dma_semaphore, #tpu.memory_space<semaphore_mem>>) src(%dma_wait3A_22 : memref<128xi32, #tpu.memory_space<hbm>>) dst(%arg8 : memref<128xi32, #tpu.memory_space<vmem>>)
        tpu.yield
      }) : () -> ()
      %dma_start3A = arith.constant 0 : i32
      %dma_start3A_15 = arith.constant 0 : i32
      %dma_start3A_16 = tpu.memref_slice %arg2[%dma_start3A, %dma_start3A_15] : memref<10000x128xf32, #tpu.memory_space<hbm>> -> memref<10000x128xf32, #tpu.memory_space<hbm>>
      tpu.enqueue_indirect_dma source(%dma_start3A_16 : memref<10000x128xf32, #tpu.memory_space<hbm>>) target(%arg9 : memref<128x128xf32, #tpu.memory_space<vmem>>) offsets(%arg7 : memref<128xi32, #tpu.memory_space<vmem>>) semaphore(%arg11 : memref<!tpu.dma_semaphore, #tpu.memory_space<semaphore_mem>>)
      %dma_wait3A = arith.constant 0 : i32
      %dma_wait3A_17 = arith.constant 0 : i32
      %dma_wait3A_18 = tpu.memref_slice %arg2[%dma_wait3A, %dma_wait3A_17] : memref<10000x128xf32, #tpu.memory_space<hbm>> -> memref<10000x128xf32, #tpu.memory_space<hbm>>
      tpu.wait_indirect_dma semaphore(%arg11 : memref<!tpu.dma_semaphore, #tpu.memory_space<semaphore_mem>>) src(%dma_wait3A_18 : memref<10000x128xf32, #tpu.memory_space<hbm>>) dst(%arg9 : memref<128x128xf32, #tpu.memory_space<vmem>>)
      "tpu.region"() ({
        %run_scoped3A = tpu.sem_alloc : memref<!tpu.dma_semaphore, #tpu.memory_space<semaphore_mem>>
        %dma_start3A_19 = arith.constant 0 : i32
        %dma_start3A_20 = arith.constant 0 : i32
        %dma_start3A_21 = tpu.memref_slice %arg10[%dma_start3A_19, %dma_start3A_20] : memref<10112x128xf32, #tpu.memory_space<vmem_shared>> -> memref<10112x128xf32, #tpu.memory_space<vmem_shared>>
        tpu.enqueue_indirect_dma source(%arg9 : memref<128x128xf32, #tpu.memory_space<vmem>>) target(%dma_start3A_21 : memref<10112x128xf32, #tpu.memory_space<vmem_shared>>) offsets(%arg8 : memref<128xi32, #tpu.memory_space<vmem>>) semaphore(%run_scoped3A : memref<!tpu.dma_semaphore, #tpu.memory_space<semaphore_mem>>) {add = true}
        %dma_wait3A_22 = arith.constant 0 : i32
        %dma_wait3A_23 = arith.constant 0 : i32
        %dma_wait3A_24 = tpu.memref_slice %arg10[%dma_wait3A_22, %dma_wait3A_23] : memref<10112x128xf32, #tpu.memory_space<vmem_shared>> -> memref<10112x128xf32, #tpu.memory_space<vmem_shared>>
        tpu.wait_indirect_dma semaphore(%run_scoped3A : memref<!tpu.dma_semaphore, #tpu.memory_space<semaphore_mem>>) src(%arg9 : memref<128x128xf32, #tpu.memory_space<vmem>>) dst(%dma_wait3A_24 : memref<10112x128xf32, #tpu.memory_space<vmem_shared>>)
        tpu.yield
      }) : () -> ()
    }
    %scan3A_7 = arith.constant 79 : i32
    %barrier3A_8 = arith.constant 0 : index
    tpu.barrier barrier_id(%barrier3A_8)
    "tpu.region"() ({
      %run_scoped3A = tpu.sem_alloc : memref<!tpu.dma_semaphore, #tpu.memory_space<semaphore_mem>>
      %dma_start3A = arith.constant 0 : i32
      %dma_start3A_9 = tpu.memref_slice %arg6[%arg0, %mul3A_2, %dma_start3A] : memref<2x10112x128xf32, #tpu.memory_space<hbm>> -> memref<1x632x128xf32, #tpu.memory_space<hbm>>
      %dma_start3A_10 = tpu.memref_squeeze %dma_start3A_9 : memref<1x632x128xf32, #tpu.memory_space<hbm>> -> memref<632x128xf32, #tpu.memory_space<hbm>>
      %dma_start3A_11 = arith.constant 0 : i32
      %dma_start3A_12 = tpu.memref_slice %arg10[%mul3A_2, %dma_start3A_11] : memref<10112x128xf32, #tpu.memory_space<vmem_shared>> -> memref<632x128xf32, #tpu.memory_space<vmem_shared>>
      tpu.enqueue_dma source(%dma_start3A_12 : memref<632x128xf32, #tpu.memory_space<vmem_shared>>) target(%dma_start3A_10 : memref<632x128xf32, #tpu.memory_space<hbm>>) target_semaphore(%run_scoped3A : memref<!tpu.dma_semaphore, #tpu.memory_space<semaphore_mem>>)
      %dma_wait3A = arith.constant 0 : i32
      %dma_wait3A_13 = tpu.memref_slice %arg6[%arg0, %mul3A_2, %dma_wait3A] : memref<2x10112x128xf32, #tpu.memory_space<hbm>> -> memref<1x632x128xf32, #tpu.memory_space<hbm>>
      %dma_wait3A_14 = tpu.memref_squeeze %dma_wait3A_13 : memref<1x632x128xf32, #tpu.memory_space<hbm>> -> memref<632x128xf32, #tpu.memory_space<hbm>>
      %dma_wait3A_15 = arith.constant 0 : i32
      %dma_wait3A_16 = tpu.memref_slice %arg10[%mul3A_2, %dma_wait3A_15] : memref<10112x128xf32, #tpu.memory_space<vmem_shared>> -> memref<632x128xf32, #tpu.memory_space<vmem_shared>>
      tpu.wait_dma2 semaphore(%run_scoped3A : memref<!tpu.dma_semaphore, #tpu.memory_space<semaphore_mem>>) src(%dma_wait3A_16 : memref<632x128xf32, #tpu.memory_space<vmem_shared>>) dst(%dma_wait3A_14 : memref<632x128xf32, #tpu.memory_space<hbm>>)
      tpu.yield
    }) : () -> ()
    return
  }
}

#map = affine_map<(d0, d1) -> (0, 0)>
#map1 = affine_map<(d0, d1) -> (0)>
#map2 = affine_map<(d0, d1) -> (0, 0, 0)>
module attributes {stable_mosaic.version = 14 : i64} {
  func.func @k(%arg0: i32, %arg1: i32, %arg2: memref<10000x128xf32, #tpu.memory_space<hbm>>, %arg3: memref<323584xi32, #tpu.memory_space<hbm>>, %arg4: memref<323584xi32, #tpu.memory_space<hbm>>, %arg5: memref<10112x128xf32, #tpu.memory_space<hbm>>, %arg6: memref<2x10112x128xf32, #tpu.memory_space<hbm>>, %arg7: memref<128xi32, #tpu.memory_space<vmem>>, %arg8: memref<128xi32, #tpu.memory_space<vmem>>, %arg9: memref<128x128xf32, #tpu.memory_space<vmem>>, %arg10: memref<10112x128xf32, #tpu.memory_space<vmem_shared>>, %arg11: memref<!tpu.dma_semaphore, #tpu.memory_space<semaphore_mem>>) attributes {dimension_semantics = [#tpu.dimension_semantics<core_parallel>, #tpu.dimension_semantics<subcore_parallel>], iteration_bounds = array<i64: 2, 16>, scalar_prefetch = 0 : i64, scratch_operands = 5 : i64, tpu.core_type = #tpu.core_type<sc_vector_subcore>, window_params = [{transform_indices = #map}, {transform_indices = #map1}, {transform_indices = #map1}, {transform_indices = #map}, {transform_indices = #map2}]} {
    %mul3A = arith.constant 2 : i32
    %mul3A_0 = arith.muli %arg1, %mul3A : i32
    %add3A = arith.addi %mul3A_0, %arg0 : i32
    %mul3A_1 = arith.constant 632 : i32
    %mul3A_2 = arith.muli %arg1, %mul3A_1 : i32
    "tpu.region"() ({
      %run_scoped3A = tpu.sem_alloc : memref<!tpu.dma_semaphore, #tpu.memory_space<semaphore_mem>>
      %dma_start3A = arith.constant 0 : i32
      %dma_start3A_9 = tpu.memref_slice %arg10[%mul3A_2, %dma_start3A] : memref<10112x128xf32, #tpu.memory_space<vmem_shared>> -> memref<632x128xf32, #tpu.memory_space<vmem_shared>>
      %dma_start3A_10 = arith.constant 0 : i32
      %dma_start3A_11 = tpu.memref_slice %arg5[%mul3A_2, %dma_start3A_10] : memref<10112x128xf32, #tpu.memory_space<hbm>> -> memref<632x128xf32, #tpu.memory_space<hbm>>
      tpu.enqueue_dma source(%dma_start3A_11 : memref<632x128xf32, #tpu.memory_space<hbm>>) target(%dma_start3A_9 : memref<632x128xf32, #tpu.memory_space<vmem_shared>>) target_semaphore(%run_scoped3A : memref<!tpu.dma_semaphore, #tpu.memory_space<semaphore_mem>>)
      %dma_wait3A = arith.constant 0 : i32
      %dma_wait3A_12 = tpu.memref_slice %arg10[%mul3A_2, %dma_wait3A] : memref<10112x128xf32, #tpu.memory_space<vmem_shared>> -> memref<632x128xf32, #tpu.memory_space<vmem_shared>>
      %dma_wait3A_13 = arith.constant 0 : i32
      %dma_wait3A_14 = tpu.memref_slice %arg5[%mul3A_2, %dma_wait3A_13] : memref<10112x128xf32, #tpu.memory_space<hbm>> -> memref<632x128xf32, #tpu.memory_space<hbm>>
      tpu.wait_dma2 semaphore(%run_scoped3A : memref<!tpu.dma_semaphore, #tpu.memory_space<semaphore_mem>>) src(%dma_wait3A_14 : memref<632x128xf32, #tpu.memory_space<hbm>>) dst(%dma_wait3A_12 : memref<632x128xf32, #tpu.memory_space<vmem_shared>>)
      tpu.yield
    }) : () -> ()
    %barrier3A = arith.constant 0 : index
    tpu.barrier barrier_id(%barrier3A)
    %scan3A = arith.constant 0 : i32
    %scan3A_3 = arith.constant 0 : i32
    %scan3A_4 = arith.constant 79 : i32
    %scan3A_5 = arith.addi %scan3A_3, %scan3A_4 : i32
    %scan3A_6 = arith.constant 1 : i32
    scf.for %scan3A_9 = %scan3A_3 to %scan3A_5 step %scan3A_6  : i32 {
      %mul3A_10 = arith.constant 10112 : i32
      %mul3A_11 = arith.muli %add3A, %mul3A_10 : i32
      %mul3A_12 = arith.constant 128 : i32
      %mul3A_13 = arith.muli %scan3A_9, %mul3A_12 : i32
      %add3A_14 = arith.addi %mul3A_11, %mul3A_13 : i32
      "tpu.region"() ({
        %run_scoped3A = tpu.sem_alloc : memref<!tpu.dma_semaphore, #tpu.memory_space<semaphore_mem>>
        %dma_start3A_19 = tpu.memref_slice %arg3[%add3A_14] : memref<323584xi32, #tpu.memory_space<hbm>> -> memref<128xi32, #tpu.memory_space<hbm>>
        %dma_start3A_20 = tpu.memref_slice %arg3[%add3A_14] : memref<323584xi32, #tpu.memory_space<hbm>> -> memref<128xi32, #tpu.memory_space<hbm>>
        tpu.enqueue_dma source(%dma_start3A_20 : memref<128xi32, #tpu.memory_space<hbm>>) target(%arg7 : memref<128xi32, #tpu.memory_space<vmem>>) target_semaphore(%run_scoped3A : memref<!tpu.dma_semaphore, #tpu.memory_space<semaphore_mem>>)
        %dma_wait3A_21 = tpu.memref_slice %arg3[%add3A_14] : memref<323584xi32, #tpu.memory_space<hbm>> -> memref<128xi32, #tpu.memory_space<hbm>>
        %dma_wait3A_22 = tpu.memref_slice %arg3[%add3A_14] : memref<323584xi32, #tpu.memory_space<hbm>> -> memref<128xi32, #tpu.memory_space<hbm>>
        tpu.wait_dma2 semaphore(%run_scoped3A : memref<!tpu.dma_semaphore, #tpu.memory_space<semaphore_mem>>) src(%dma_wait3A_22 : memref<128xi32, #tpu.memory_space<hbm>>) dst(%arg7 : memref<128xi32, #tpu.memory_space<vmem>>)
        tpu.yield
      }) : () -> ()
      "tpu.region"() ({
        %run_scoped3A = tpu.sem_alloc : memref<!tpu.dma_semaphore, #tpu.memory_space<semaphore_mem>>
        %dma_start3A_19 = tpu.memref_slice %arg4[%add3A_14] : memref<323584xi32, #tpu.memory_space<hbm>> -> memref<128xi32, #tpu.memory_space<hbm>>
        %dma_start3A_20 = tpu.memref_slice %arg4[%add3A_14] : memref<323584xi32, #tpu.memory_space<hbm>> -> memref<128xi32, #tpu.memory_space<hbm>>
        tpu.enqueue_dma source(%dma_start3A_20 : memref<128xi32, #tpu.memory_space<hbm>>) target(%arg8 : memref<128xi32, #tpu.memory_space<vmem>>) target_semaphore(%run_scoped3A : memref<!tpu.dma_semaphore, #tpu.memory_space<semaphore_mem>>)
        %dma_wait3A_21 = tpu.memref_slice %arg4[%add3A_14] : memref<323584xi32, #tpu.memory_space<hbm>> -> memref<128xi32, #tpu.memory_space<hbm>>
        %dma_wait3A_22 = tpu.memref_slice %arg4[%add3A_14] : memref<323584xi32, #tpu.memory_space<hbm>> -> memref<128xi32, #tpu.memory_space<hbm>>
        tpu.wait_dma2 semaphore(%run_scoped3A : memref<!tpu.dma_semaphore, #tpu.memory_space<semaphore_mem>>) src(%dma_wait3A_22 : memref<128xi32, #tpu.memory_space<hbm>>) dst(%arg8 : memref<128xi32, #tpu.memory_space<vmem>>)
        tpu.yield
      }) : () -> ()
      %dma_start3A = arith.constant 0 : i32
      %dma_start3A_15 = arith.constant 0 : i32
      %dma_start3A_16 = tpu.memref_slice %arg2[%dma_start3A, %dma_start3A_15] : memref<10000x128xf32, #tpu.memory_space<hbm>> -> memref<10000x128xf32, #tpu.memory_space<hbm>>
      tpu.enqueue_indirect_dma source(%dma_start3A_16 : memref<10000x128xf32, #tpu.memory_space<hbm>>) target(%arg9 : memref<128x128xf32, #tpu.memory_space<vmem>>) offsets(%arg7 : memref<128xi32, #tpu.memory_space<vmem>>) semaphore(%arg11 : memref<!tpu.dma_semaphore, #tpu.memory_space<semaphore_mem>>)
      %dma_wait3A = arith.constant 0 : i32
      %dma_wait3A_17 = arith.constant 0 : i32
      %dma_wait3A_18 = tpu.memref_slice %arg2[%dma_wait3A, %dma_wait3A_17] : memref<10000x128xf32, #tpu.memory_space<hbm>> -> memref<10000x128xf32, #tpu.memory_space<hbm>>
      tpu.wait_indirect_dma semaphore(%arg11 : memref<!tpu.dma_semaphore, #tpu.memory_space<semaphore_mem>>) src(%dma_wait3A_18 : memref<10000x128xf32, #tpu.memory_space<hbm>>) dst(%arg9 : memref<128x128xf32, #tpu.memory_space<vmem>>)
      "tpu.region"() ({
        %run_scoped3A = tpu.sem_alloc : memref<!tpu.dma_semaphore, #tpu.memory_space<semaphore_mem>>
        %dma_start3A_19 = arith.constant 0 : i32
        %dma_start3A_20 = arith.constant 0 : i32
        %dma_start3A_21 = tpu.memref_slice %arg10[%dma_start3A_19, %dma_start3A_20] : memref<10112x128xf32, #tpu.memory_space<vmem_shared>> -> memref<10112x128xf32, #tpu.memory_space<vmem_shared>>
        tpu.enqueue_indirect_dma source(%arg9 : memref<128x128xf32, #tpu.memory_space<vmem>>) target(%dma_start3A_21 : memref<10112x128xf32, #tpu.memory_space<vmem_shared>>) offsets(%arg8 : memref<128xi32, #tpu.memory_space<vmem>>) semaphore(%run_scoped3A : memref<!tpu.dma_semaphore, #tpu.memory_space<semaphore_mem>>) {add = true}
        %dma_wait3A_22 = arith.constant 0 : i32
        %dma_wait3A_23 = arith.constant 0 : i32
        %dma_wait3A_24 = tpu.memref_slice %arg10[%dma_wait3A_22, %dma_wait3A_23] : memref<10112x128xf32, #tpu.memory_space<vmem_shared>> -> memref<10112x128xf32, #tpu.memory_space<vmem_shared>>
        tpu.wait_indirect_dma semaphore(%run_scoped3A : memref<!tpu.dma_semaphore, #tpu.memory_space<semaphore_mem>>) src(%arg9 : memref<128x128xf32, #tpu.memory_space<vmem>>) dst(%dma_wait3A_24 : memref<10112x128xf32, #tpu.memory_space<vmem_shared>>)
        tpu.yield
      }) : () -> ()
    }
    %scan3A_7 = arith.constant 79 : i32
    %barrier3A_8 = arith.constant 0 : index
    tpu.barrier barrier_id(%barrier3A_8)
    "tpu.region"() ({
      %run_scoped3A = tpu.sem_alloc : memref<!tpu.dma_semaphore, #tpu.memory_space<semaphore_mem>>
      %dma_start3A = arith.constant 0 : i32
      %dma_start3A_9 = tpu.memref_slice %arg6[%arg0, %mul3A_2, %dma_start3A] : memref<2x10112x128xf32, #tpu.memory_space<hbm>> -> memref<1x632x128xf32, #tpu.memory_space<hbm>>
      %dma_start3A_10 = tpu.memref_squeeze %dma_start3A_9 : memref<1x632x128xf32, #tpu.memory_space<hbm>> -> memref<632x128xf32, #tpu.memory_space<hbm>>
      %dma_start3A_11 = arith.constant 0 : i32
      %dma_start3A_12 = tpu.memref_slice %arg10[%mul3A_2, %dma_start3A_11] : memref<10112x128xf32, #tpu.memory_space<vmem_shared>> -> memref<632x128xf32, #tpu.memory_space<vmem_shared>>
      tpu.enqueue_dma source(%dma_start3A_12 : memref<632x128xf32, #tpu.memory_space<vmem_shared>>) target(%dma_start3A_10 : memref<632x128xf32, #tpu.memory_space<hbm>>) target_semaphore(%run_scoped3A : memref<!tpu.dma_semaphore, #tpu.memory_space<semaphore_mem>>)
      %dma_wait3A = arith.constant 0 : i32
      %dma_wait3A_13 = tpu.memref_slice %arg6[%arg0, %mul3A_2, %dma_wait3A] : memref<2x10112x128xf32, #tpu.memory_space<hbm>> -> memref<1x632x128xf32, #tpu.memory_space<hbm>>
      %dma_wait3A_14 = tpu.memref_squeeze %dma_wait3A_13 : memref<1x632x128xf32, #tpu.memory_space<hbm>> -> memref<632x128xf32, #tpu.memory_space<hbm>>
      %dma_wait3A_15 = arith.constant 0 : i32
      %dma_wait3A_16 = tpu.memref_slice %arg10[%mul3A_2, %dma_wait3A_15] : memref<10112x128xf32, #tpu.memory_space<vmem_shared>> -> memref<632x128xf32, #tpu.memory_space<vmem_shared>>
      tpu.wait_dma2 semaphore(%run_scoped3A : memref<!tpu.dma_semaphore, #tpu.memory_space<semaphore_mem>>) src(%dma_wait3A_16 : memref<632x128xf32, #tpu.memory_space<vmem_shared>>) dst(%dma_wait3A_14 : memref<632x128xf32, #tpu.memory_space<hbm>>)
      tpu.yield
    }) : () -> ()
    return
  }
}

module attributes {stable_mosaic.version = 14 : i64} {
  func.func @body(%arg0: memref<10000x128xf32, #tpu.memory_space<vmem>>, %arg1: memref<2x10112x128xf32, #tpu.memory_space<vmem>>, %arg2: memref<128x128xf32, #tpu.memory_space<vmem>>, %arg3: memref<1x128xf32, #tpu.memory_space<vmem>>, %arg4: memref<128x128xf32, #tpu.memory_space<vmem>>, %arg5: memref<1x128xf32, #tpu.memory_space<vmem>>, %arg6: memref<1x128xf32, #tpu.memory_space<vmem>>, %arg7: memref<1x128xf32, #tpu.memory_space<vmem>>, %arg8: memref<10000x128xf32, #tpu.memory_space<vmem>>) attributes {dimension_semantics = [], scalar_prefetch = 0 : i64, scratch_operands = 0 : i64, tpu.core_type = #tpu.core_type<tc>} {
    %get3A = arith.constant 0 : index
    %get3A_0 = arith.constant 0 : index
    %get3A_1 = arith.constant 0 : index
    %get3A_2 = vector.load %arg1[%get3A, %get3A_0, %get3A_1] : memref<2x10112x128xf32, #tpu.memory_space<vmem>>, vector<1x10000x128xf32>
    %get3A_3 = vector.shape_cast %get3A_2 : vector<1x10000x128xf32> to vector<10000x128xf32>
    %get3A_4 = arith.constant 1 : index
    %get3A_5 = arith.constant 0 : index
    %get3A_6 = arith.constant 0 : index
    %get3A_7 = vector.load %arg1[%get3A_4, %get3A_5, %get3A_6] : memref<2x10112x128xf32, #tpu.memory_space<vmem>>, vector<1x10000x128xf32>
    %get3A_8 = vector.shape_cast %get3A_7 : vector<1x10000x128xf32> to vector<10000x128xf32>
    %add3A = arith.addf %get3A_3, %get3A_8 : vector<10000x128xf32>
    %get3A_9 = arith.constant 0 : index
    %get3A_10 = arith.constant 0 : index
    %get3A_11 = vector.load %arg0[%get3A_9, %get3A_10] : memref<10000x128xf32, #tpu.memory_space<vmem>>, vector<10000x128xf32>
    %add3A_12 = arith.addf %get3A_11, %add3A : vector<10000x128xf32>
    %get3A_13 = arith.constant 0 : index
    %get3A_14 = arith.constant 0 : index
    %get3A_15 = vector.load %arg2[%get3A_13, %get3A_14] : memref<128x128xf32, #tpu.memory_space<vmem>>, vector<128x128xf32>
    %dot_general3A = arith.constant dense<0.000000e+00> : vector<10000x128xf32>
    %dot_general3A_16 = tpu.matmul %add3A_12, %get3A_15, %dot_general3A {dimension_numbers = #tpu.dot_dimension_numbers<[1], [0], [0], [1], [0, 0, 1, 1], [], []>, transpose_lhs_hint = false} : vector<10000x128xf32>, vector<128x128xf32>, vector<10000x128xf32> -> vector<10000x128xf32>
    %get3A_17 = arith.constant 0 : index
    %get3A_18 = arith.constant 0 : index
    %get3A_19 = vector.load %arg3[%get3A_17, %get3A_18] : memref<1x128xf32, #tpu.memory_space<vmem>>, vector<1x128xf32>
    %add3A_20 = vector.broadcast %get3A_19 : vector<1x128xf32> to vector<10000x128xf32>
    %add3A_21 = arith.addf %dot_general3A_16, %add3A_20 : vector<10000x128xf32>
    %max3A = arith.constant 0.000000e+00 : f32
    %max3A_22 = vector.broadcast %max3A : f32 to vector<10000x128xf32>
    %max3A_23 = arith.maximumf %add3A_21, %max3A_22 : vector<10000x128xf32>
    %get3A_24 = arith.constant 0 : index
    %get3A_25 = arith.constant 0 : index
    %get3A_26 = vector.load %arg4[%get3A_24, %get3A_25] : memref<128x128xf32, #tpu.memory_space<vmem>>, vector<128x128xf32>
    %dot_general3A_27 = arith.constant dense<0.000000e+00> : vector<10000x128xf32>
    %dot_general3A_28 = tpu.matmul %max3A_23, %get3A_26, %dot_general3A_27 {dimension_numbers = #tpu.dot_dimension_numbers<[1], [0], [0], [1], [0, 0, 1, 1], [], []>, transpose_lhs_hint = false} : vector<10000x128xf32>, vector<128x128xf32>, vector<10000x128xf32> -> vector<10000x128xf32>
    %get3A_29 = arith.constant 0 : index
    %get3A_30 = arith.constant 0 : index
    %get3A_31 = vector.load %arg5[%get3A_29, %get3A_30] : memref<1x128xf32, #tpu.memory_space<vmem>>, vector<1x128xf32>
    %add3A_32 = vector.broadcast %get3A_31 : vector<1x128xf32> to vector<10000x128xf32>
    %add3A_33 = arith.addf %dot_general3A_28, %add3A_32 : vector<10000x128xf32>
    %max3A_34 = arith.constant 0.000000e+00 : f32
    %max3A_35 = vector.broadcast %max3A_34 : f32 to vector<10000x128xf32>
    %max3A_36 = arith.maximumf %add3A_33, %max3A_35 : vector<10000x128xf32>
    %reduce_sum3A = arith.constant dense<0.000000e+00> : vector<128xf32>
    %reduce_sum3A_37 = vector.multi_reduction <add>, %max3A_36, %reduce_sum3A [0] : vector<10000x128xf32> to vector<128xf32>
    %broadcast_in_dim3A = vector.shape_cast %reduce_sum3A_37 : vector<128xf32> to vector<1x128xf32>
    %div3A = arith.constant 1.000000e+04 : f32
    %div3A_38 = vector.broadcast %div3A : f32 to vector<1x128xf32>
    %div3A_39 = arith.divf %broadcast_in_dim3A, %div3A_38 : vector<1x128xf32>
    %sub3A = vector.broadcast %div3A_39 : vector<1x128xf32> to vector<10000x128xf32>
    %sub3A_40 = arith.subf %max3A_36, %sub3A : vector<10000x128xf32>
    %integer_pow3A = arith.mulf %sub3A_40, %sub3A_40 : vector<10000x128xf32>
    %reduce_sum3A_41 = arith.constant dense<0.000000e+00> : vector<128xf32>
    %reduce_sum3A_42 = vector.multi_reduction <add>, %integer_pow3A, %reduce_sum3A_41 [0] : vector<10000x128xf32> to vector<128xf32>
    %broadcast_in_dim3A_43 = vector.shape_cast %reduce_sum3A_42 : vector<128xf32> to vector<1x128xf32>
    %div3A_44 = arith.constant 1.000000e+04 : f32
    %div3A_45 = vector.broadcast %div3A_44 : f32 to vector<1x128xf32>
    %div3A_46 = arith.divf %broadcast_in_dim3A_43, %div3A_45 : vector<1x128xf32>
    %get3A_47 = arith.constant 0 : index
    %get3A_48 = arith.constant 0 : index
    %get3A_49 = vector.load %arg6[%get3A_47, %get3A_48] : memref<1x128xf32, #tpu.memory_space<vmem>>, vector<1x128xf32>
    %sub3A_50 = vector.broadcast %div3A_39 : vector<1x128xf32> to vector<10000x128xf32>
    %sub3A_51 = arith.subf %max3A_36, %sub3A_50 : vector<10000x128xf32>
    %mul3A = vector.broadcast %get3A_49 : vector<1x128xf32> to vector<10000x128xf32>
    %mul3A_52 = arith.mulf %mul3A, %sub3A_51 : vector<10000x128xf32>
    %add3A_53 = arith.constant 9.99999974E-6 : f32
    %add3A_54 = vector.broadcast %add3A_53 : f32 to vector<1x128xf32>
    %add3A_55 = arith.addf %div3A_46, %add3A_54 : vector<1x128xf32>
    %rsqrt3A = math.rsqrt %add3A_55 : vector<1x128xf32>
    %mul3A_56 = vector.broadcast %rsqrt3A : vector<1x128xf32> to vector<10000x128xf32>
    %mul3A_57 = arith.mulf %mul3A_52, %mul3A_56 : vector<10000x128xf32>
    %get3A_58 = arith.constant 0 : index
    %get3A_59 = arith.constant 0 : index
    %get3A_60 = vector.load %arg7[%get3A_58, %get3A_59] : memref<1x128xf32, #tpu.memory_space<vmem>>, vector<1x128xf32>
    %add3A_61 = vector.broadcast %get3A_60 : vector<1x128xf32> to vector<10000x128xf32>
    %add3A_62 = arith.addf %mul3A_57, %add3A_61 : vector<10000x128xf32>
    %swap3A = arith.constant 0 : index
    %swap3A_63 = arith.constant 0 : index
    %swap3A_64 = vector.load %arg8[%swap3A, %swap3A_63] : memref<10000x128xf32, #tpu.memory_space<vmem>>, vector<10000x128xf32>
    tpu.vector_store %arg8[%swap3A, %swap3A_63], %add3A_62 {strides = array<i32>} : memref<10000x128xf32, #tpu.memory_space<vmem>>, vector<10000x128xf32>,
    return
  }
}

module attributes {stable_mosaic.version = 14 : i64} {
  func.func @body(%arg0: memref<10000x128xf32, #tpu.memory_space<vmem>>, %arg1: memref<128x128xf32, #tpu.memory_space<vmem>>, %arg2: memref<1x128xf32, #tpu.memory_space<vmem>>, %arg3: memref<128x64xf32, #tpu.memory_space<vmem>>, %arg4: memref<1x64xf32, #tpu.memory_space<vmem>>, %arg5: memref<10000x64xf32, #tpu.memory_space<vmem>>) attributes {dimension_semantics = [], scalar_prefetch = 0 : i64, scratch_operands = 0 : i64, tpu.core_type = #tpu.core_type<tc>} {
    %get3A = arith.constant 0 : index
    %get3A_0 = arith.constant 0 : index
    %get3A_1 = vector.load %arg0[%get3A, %get3A_0] : memref<10000x128xf32, #tpu.memory_space<vmem>>, vector<10000x128xf32>
    %get3A_2 = arith.constant 0 : index
    %get3A_3 = arith.constant 0 : index
    %get3A_4 = vector.load %arg1[%get3A_2, %get3A_3] : memref<128x128xf32, #tpu.memory_space<vmem>>, vector<128x128xf32>
    %dot_general3A = arith.constant dense<0.000000e+00> : vector<10000x128xf32>
    %dot_general3A_5 = tpu.matmul %get3A_1, %get3A_4, %dot_general3A {dimension_numbers = #tpu.dot_dimension_numbers<[1], [0], [0], [1], [0, 0, 1, 1], [], []>, transpose_lhs_hint = false} : vector<10000x128xf32>, vector<128x128xf32>, vector<10000x128xf32> -> vector<10000x128xf32>
    %get3A_6 = arith.constant 0 : index
    %get3A_7 = arith.constant 0 : index
    %get3A_8 = vector.load %arg2[%get3A_6, %get3A_7] : memref<1x128xf32, #tpu.memory_space<vmem>>, vector<1x128xf32>
    %add3A = vector.broadcast %get3A_8 : vector<1x128xf32> to vector<10000x128xf32>
    %add3A_9 = arith.addf %dot_general3A_5, %add3A : vector<10000x128xf32>
    %max3A = arith.constant 0.000000e+00 : f32
    %max3A_10 = vector.broadcast %max3A : f32 to vector<10000x128xf32>
    %max3A_11 = arith.maximumf %add3A_9, %max3A_10 : vector<10000x128xf32>
    %get3A_12 = arith.constant 0 : index
    %get3A_13 = arith.constant 0 : index
    %get3A_14 = vector.load %arg3[%get3A_12, %get3A_13] : memref<128x64xf32, #tpu.memory_space<vmem>>, vector<128x64xf32>
    %dot_general3A_15 = arith.constant dense<0.000000e+00> : vector<10000x64xf32>
    %dot_general3A_16 = tpu.matmul %max3A_11, %get3A_14, %dot_general3A_15 {dimension_numbers = #tpu.dot_dimension_numbers<[1], [0], [0], [1], [0, 0, 1, 1], [], []>, transpose_lhs_hint = false} : vector<10000x128xf32>, vector<128x64xf32>, vector<10000x64xf32> -> vector<10000x64xf32>
    %get3A_17 = arith.constant 0 : index
    %get3A_18 = arith.constant 0 : index
    %get3A_19 = vector.load %arg4[%get3A_17, %get3A_18] : memref<1x64xf32, #tpu.memory_space<vmem>>, vector<1x64xf32>
    %add3A_20 = vector.broadcast %get3A_19 : vector<1x64xf32> to vector<10000x64xf32>
    %add3A_21 = arith.addf %dot_general3A_16, %add3A_20 : vector<10000x64xf32>
    %reduce_max3A = arith.constant dense<0xFF800000> : vector<10000xf32>
    %reduce_max3A_22 = vector.multi_reduction <maximumf>, %add3A_21, %reduce_max3A [1] : vector<10000x64xf32> to vector<10000xf32>
    %broadcast_in_dim3A = vector.shape_cast %reduce_max3A_22 : vector<10000xf32> to vector<10000x1xf32>
    %sub3A = vector.broadcast %broadcast_in_dim3A : vector<10000x1xf32> to vector<10000x64xf32>
    %sub3A_23 = arith.subf %add3A_21, %sub3A : vector<10000x64xf32>
    %exp3A = math.exp %sub3A_23 : vector<10000x64xf32>
    %reduce_sum3A = arith.constant dense<0.000000e+00> : vector<10000xf32>
    %reduce_sum3A_24 = vector.multi_reduction <add>, %exp3A, %reduce_sum3A [1] : vector<10000x64xf32> to vector<10000xf32>
    %broadcast_in_dim3A_25 = vector.shape_cast %reduce_sum3A_24 : vector<10000xf32> to vector<10000x1xf32>
    %log3A = math.log %broadcast_in_dim3A_25 : vector<10000x1xf32>
    %add3A_26 = arith.addf %log3A, %broadcast_in_dim3A : vector<10000x1xf32>
    %sub3A_27 = vector.broadcast %add3A_26 : vector<10000x1xf32> to vector<10000x64xf32>
    %sub3A_28 = arith.subf %add3A_21, %sub3A_27 : vector<10000x64xf32>
    %swap3A = arith.constant 0 : index
    %swap3A_29 = arith.constant 0 : index
    %swap3A_30 = vector.load %arg5[%swap3A, %swap3A_29] : memref<10000x64xf32, #tpu.memory_space<vmem>>, vector<10000x64xf32>
    tpu.vector_store %arg5[%swap3A, %swap3A_29], %sub3A_28 {strides = array<i32>} : memref<10000x64xf32, #tpu.memory_space<vmem>>, vector<10000x64xf32>,
    return
  }
}

</mosaic_0001>

<sc_bundles>
// kernel: kernel.12.cloned.1.call-start
scs
__scs_entry_jumppad:
0x0: {  	(pc) =	sbr.rel $0x88, $3  }
0x1: {  	(tag) =	ssettag $0x0;
	lr =	simm.s32 $0x1  }
0x2: {  	[smem:$0x3F89] =	sst lr;
	_ =	strace $0xD0000000  }
0x3: {  	_ = 	snop  }
0x4: {  	_ = 	snop  }
0x5: {  	_ = 	snop  }
0x6: {  	_ = 	snop  }
0x7: {  	_ = 	snop  }
__scs_overlays_trampoline_lowered:
0x8: {  	[smem:$0x3F98] =	sst s0  }
0x9: {  	[smem:$0x3F99] =	sst s1  }
0xa: {  	[smem:$0x3F9A] =	sst s2  }
0xb: {  	[smem:$0x3F9B] =	sst s3  }
0xc: {  	[smem:$0x3F9C] =	sst s4  }
0xd: {  	[smem:$0x3F9D] =	sst s5  }
0xe: {  	[smem:$0x3F9E] =	sst s6  }
0xf: {  	[smem:$0x3F9F] =	sst s7  }
0x10: {  	[smem:$0x3FA0] =	sst s8  }
0x11: {  	[smem:$0x3FA1] =	sst s9;
	s0 =	simm.s32 @!p0 $0x0  }
0x12: {  	s1 =	sld [smem:$0x3F87];
	s0 =	simm.s32 @p0 $0x1  }
0x13: {  	[smem:$0x3FA2] =	sst s0;
	s0 =	simm.s32 @!p1 $0x0  }
0x14: {  	s2 =	sld [smem:$0x3F86];
	s0 =	simm.s32 @p1 $0x1  }
0x15: {  	[smem:$0x3FA3] =	sst s0;
	s0 =	simm.s32 @!p2 $0x0  }
0x16: {  	s3 =	sld [smem:$0x3FDB];
	s0 =	simm.s32 @p2 $0x1  }
0x17: {  	s4 =	simm.s32 $0x1BF5;
	[smem:$0x3FA5] =	sst s0  }
0x18: {  	s0 =	sld [smem:$0x3F88];
	_ =	swait.ge [sflag:s4], $0x0  }
0x19: {  	s7 =	sld [smem:$0x3F89]  }
0x1a: {  	s8 =	sadd.s32 $0xFFFFE003, lr  }
0x1b: {  	s9 =	sadd.s32 $0xFFFFFEF7, lr;
	s5 =	simm.s32 $0xFFFFFFFF;
	p2 =	slt.u32 s8, $0xFFFFF086  }
0x1c: {  	p1 =	slt.u32 s9, $0xF7A;
	s5 =	simm.s32 @!p2 $0x0  }
0x1d: {  	s5 =	simm.s32 @p1 $0x1;
	p0 =	seq.s32 s7, s2  }
0x1e: {  	s7 =	smul.u32 @!p0 $0xF7A, s2;
	p2 =	seq.s32 @!p0 s5, $0x0  }
0x1f: {  	s9 =	smul.u32 $0xF7A, s1;
	s8 =	simm.s32 @!p0 $0x1BF5;
	p2 =	por !p2, p0  }
0x20: {  	[sflag:s8] =	ssyncset.s32 @!p0 $0xFFFFF086;
	s6 =	sadd.s32 @!p0 s3, s7;
	s7 =	simm.s32 @!p0 $0x108  }
0x21: {  	s3 =	sadd.s32 s3, s9;
	s6 =	sadd.s32 @!p0 $0x88, s6;
	s7 =	simm.s32 @p2 $0x1082  }
0x22: {  	[simem:s7], [sflag:s8] =	dma.local @!p0 [hbm:s6], $0xF7A  }
0x23: {  	s9 =	sor.u32 $0xD0000000, s2;
	s6 =	simm.s32 $0x108;
	_ =	swait.ge @!p0 [sflag:s8], $0x0  }
0x24: {  	s3 =	sadd.s32 $0x88, s3;
	s6 =	simm.s32 @!p1 $0x1082;
	[sflag:s4] =	ssyncset.s32 $0xFFFFF086  }
0x25: {  	[simem:s6], [sflag:s4] =	dma.local [hbm:s3], $0xF7A  }
0x26: {  	[smem:$0x3F89] =	sst s1;
	(tag) =	ssettag s2;
	_ =	strace s9  }
0x27: {  	s1 =	sld [smem:$0x3F99]  }
0x28: {  	s2 =	sld [smem:$0x3F9A]  }
0x29: {  	s4 =	sld [smem:$0x3F9C]  }
0x2a: {  	p0 =	seq.s32 s5, $0x0;
	s5 =	sld [smem:$0x3F9D]  }
0x2b: {  	s6 =	sld [smem:$0x3F9E]  }
0x2c: {  	s7 =	sld [smem:$0x3F9F]  }
0x2d: {  	s3 =	simm.s32 $0x108;
	s8 =	sld [smem:$0x3FA0]  }
0x2e: {  	s3 =	simm.s32 @!p0 $0x1082;
	s9 =	sld [smem:$0x3FA1]  }
0x2f: {  	lr =	sadd.s32 s0, s3;
	s0 =	sld [smem:$0x3F98]  }
0x30: {  	s3 =	sld [smem:$0x3F9B]  }
0x31: {  	[smem:$0x3FA4] =	sst s10  }
0x32: {  	s10 =	sld [smem:$0x3FA2];
	_ =	sdelay $0x3  }
0x33: {  	p0 =	seq.s32 s10, $0x1;
	s10 =	sld [smem:$0x3FA4];
	_ =	sdelay $0x3  }
0x34: {  	[smem:$0x3FA4] =	sst s10  }
0x35: {  	s10 =	sld [smem:$0x3FA3];
	_ =	sdelay $0x3  }
0x36: {  	p1 =	seq.s32 s10, $0x1;
	s10 =	sld [smem:$0x3FA4];
	_ =	sdelay $0x3  }
0x37: {  	[smem:$0x3FA4] =	sst s10  }
0x38: {  	s10 =	sld [smem:$0x3FA5]  }
0x39: {  	_ = 	snop;
	(pc) =	sbr.ind lr, $3  }
0x3a: {  	_ = 	snop  }
0x3b: {  	_ = 	snop  }
0x3c: {  	p2 =	seq.s32 s10, $0x1;
	s10 =	sld [smem:$0x3FA4]  }
0x3d: {  	_ =	shalt  }
0x3e: {  	_ =	shalt  }
0x3f: {  	_ =	shalt  }
0x40: {  	_ =	shalt  }
0x41: {  	_ =	shalt  }
0x42: {  	_ =	shalt  }
0x43: {  	_ =	shalt  }
0x44: {  	_ =	shalt  }
0x45: {  	_ =	shalt  }
0x46: {  	_ =	shalt  }
0x47: {  	_ =	shalt  }
0x48: {  	_ =	shalt  }
0x49: {  	_ =	shalt  }
0x4a: {  	_ =	shalt  }
0x4b: {  	_ =	shalt  }
0x4c: {  	_ =	shalt  }
0x4d: {  	_ =	shalt  }
0x4e: {  	_ =	shalt  }
0x4f: {  	_ =	shalt  }
0x50: {  	_ =	shalt  }
0x51: {  	_ =	shalt  }
0x52: {  	_ =	shalt  }
0x53: {  	_ =	shalt  }
0x54: {  	_ =	shalt  }
0x55: {  	_ =	shalt  }
0x56: {  	_ =	shalt  }
0x57: {  	_ =	shalt  }
0x58: {  	_ =	shalt  }
0x59: {  	_ =	shalt  }
0x5a: {  	_ =	shalt  }
0x5b: {  	_ =	shalt  }
0x5c: {  	_ =	shalt  }
0x5d: {  	_ =	shalt  }
0x5e: {  	_ =	shalt  }
0x5f: {  	_ =	shalt  }
0x60: {  	_ =	shalt  }
0x61: {  	_ =	shalt  }
0x62: {  	_ =	shalt  }
0x63: {  	_ =	shalt  }
0x64: {  	_ =	shalt  }
0x65: {  	_ =	shalt  }
0x66: {  	_ =	shalt  }
0x67: {  	_ =	shalt  }
0x68: {  	_ =	shalt  }
0x69: {  	_ =	shalt  }
0x6a: {  	_ =	shalt  }
0x6b: {  	_ =	shalt  }
0x6c: {  	_ =	shalt  }
0x6d: {  	_ =	shalt  }
0x6e: {  	_ =	shalt  }
0x6f: {  	_ =	shalt  }
0x70: {  	_ =	shalt  }
0x71: {  	_ =	shalt  }
0x72: {  	_ =	shalt  }
0x73: {  	_ =	shalt  }
0x74: {  	_ =	shalt  }
0x75: {  	_ =	shalt  }
0x76: {  	_ =	shalt  }
0x77: {  	_ =	shalt  }
0x78: {  	_ =	shalt  }
0x79: {  	_ =	shalt  }
0x7a: {  	_ =	shalt  }
0x7b: {  	_ =	shalt  }
0x7c: {  	_ =	shalt  }
0x7d: {  	_ =	shalt  }
0x7e: {  	_ =	shalt  }
0x7f: {  	_ =	shalt  }
0x80: {  	_ =	shalt  }
0x81: {  	_ =	shalt  }
0x82: {  	_ =	shalt  }
0x83: {  	_ =	shalt  }
0x84: {  	_ =	shalt  }
0x85: {  	_ =	shalt  }
0x86: {  	_ =	shalt  }
0x87: {  	_ =	shalt  }
.Lfunc_end0:
.L_simem_size_0:
called_computation.1_lowered:
.L_overlay_start_0:
0x88: {  	s2 =	sld [smem:$0x3FD9]  }
0x89: {  	s3 =	sld [smem:$0x3FFE];
	_ =	sdelay $0x1  }
0x8a: {  	s1 =	srdreg.scid  }
0x8b: {  	s0 =	sand.u32 $0x1, s1  }
0x8c: {  	s17 =	sshll.u32 s0, $0xA;
	s2 =	sadd.s32 s3, s2  }
0x8d: {  	s2 =	sadd.s32 s2, s17  }
0x8e: {  	[smem:$0x3FB0] =	sst s2  }
0x8f: {  	_ = 	snop  }
0x90: {  	s2 =	sld [smem:$0x3FD0];
	(tm) =	ssettm $0x1  }
0x91: {  	s18 =	sld [smem:$0x3FFB];
	_ =	sdelay $0x3  }
0x92: {  	_ =	strace s18  }
0x93: {  	s3 =	sld [smem:$0x3FFC];
	_ =	sdelay $0x3  }
0x94: {  	_ =	strace s3  }
0x95: {  	s3 =	sld [smem:$0x3FFD];
	_ =	sdelay $0x3  }
0x96: {  	_ =	strace s3  }
0x97: {  	_ =	strace $0x8FFFFFFF  }
0x98: {  	s19 =	sld [smem:$0x3FDB];
	_ =	sdelay $0x1  }
0x99: {  	s4 =	simm.s32 $_scs_section_size  }
0x9a: {  	s5 =	simm.s32 $_size__tile_overlayer_lowered;
	s6 =	simm.s32 $_tile_overlayer_lowered  }
0x9b: {  	s22 =	simm.s32 $0x1BFF;
	s21 =	sshll.u32 s6, $0x1;
	s3 =	sadd.s32 s4, s19  }
0x9c: {  	s7 =	simm.s32 $0x0;
	s20 =	sshll.u32 s5, $0x1;
	s5 =	sadd.s32 s21, s3  }
0x9d: {  	[timem:s7], [sflag:s22] =	dma.local [hbm:s5], s20  }
0x9e: {  	_ =	swait.ge [sflag:s22], s20  }
0x9f: {  	s4 =	ssub.s32 $0x0, s20;
	[sflag:s22] =	ssyncset.done $0x0  }
0xa0: {  	[sflag:s22] =	ssyncadd.s32 s4;
	_ =	sdelay $0x1  }
0xa1: {  	s23 =	simm.s32 $0x1B8B  }
0xa2: {  	_ =	swait.ge [sflag:s23], $0x1  }
0xa3: {  	[sflag:s23] =	ssyncset.done $0x0  }
0xa4: {  	s25 =	simm.s32 $0x1B8E;
	s24 =	sld [smem:$0x3FFE];
	[sflag:s23] =	ssyncadd.s32 $0xFFFFFFFF  }
0xa5: {  	s26 =	simm.s32 $execute0_lowered;
	[smem:$0x3FD2] =	sst s25  }
0xa6: {  	s5 =	sshll.u32 s26, $0x1;
	_ =	strace $0x80000049;
	[dreg:$0x1] =	wrdreg $0xFFFFFFFF  }
0xa7: {  	s28 =	simm.s32 $_size_execute0_lowered;
	s3 =	sadd.s32 s3, s5;
	[dreg:$0x0] =	wrdreg $0x0  }
0xa8: {  	s5 =	sshll.u32 s28, $0x1;
	[dreg:$0x2] =	wrdreg s3  }
0xa9: {  	[dreg:$0x3] =	wrdreg s5  }
0xaa: {  	[dreg:$0x4] =	wrdreg $0xC0  }
0xab: {  	_ =	task [dreg:s7], $0x5FFFF  }
0xac: {  	[dreg:$0x1] =	wrdreg $0xFFFFFFFF  }
0xad: {  	[dreg:$0x0] =	wrdreg $0x60  }
0xae: {  	[dreg:$0x2] =	wrdreg s24  }
0xaf: {  	[dreg:$0x3] =	wrdreg s2  }
0xb0: {  	[dreg:$0x4] =	wrdreg $0x41000  }
0xb1: {  	[dreg:$0x5] =	wrdreg $0x9  }
0xb2: {  	_ =	task.clear_ibuf [dreg:s7], $0x6FFFF;
	_ =	strace $0x90000049  }
0xb3: {  	s29 =	simm.s32 $0x9;
	_ =	strace $0x8000004B  }
0xb4: {  	_ =	swait.ge [sflag:s29], $0x1  }
0xb5: {  	[sflag:s29] =	ssyncadd.s32 $0xFFFFFFFF  }
0xb6: {  	_ =	strace $0x9000004B  }
0xb7: {  	_ =	sfence  }
0xb8: {  	s30 =	sld [smem:$0x0];
	_ =	sdelay $0x2  }
0xb9: {  	s31 =	sshll.u32 s1, $0xD;
	s1 =	sshrl.u32 s1, $0x2  }
0xba: {  	s3 =	sand.u32 $0x4000, s31;
	s1 =	sadd.s32 s1, s30  }
0xbb: {  	s0 =	sor.u32 s3, s0;
	s1 =	sshll.u32 s1, $0x11  }
0xbc: {  	s0 =	sor.u32 s1, s0  }
0xbd: {  	s0 =	sadd.s32 $0x8F2B, s0  }
0xbe: {  	[sflag:s0] =	ssyncadd.remote.s32 $0x1  }
0xbf: {  	_ =	sfence.sel $0xFFFF  }
0xc0: {  	[dreg:$0x0] =	wrdreg $0xFFFFFFFF;
	(pc) =	sbr.abs _section_cstart, $3  }
0xc1: {  	[dreg:$0x1] =	wrdreg $0xFFFFFFFF  }
0xc2: {  	_ =	task.clear_ibuf [dreg:s7], $0x2FFFF;
	_ =	strace $0x9FFFFFFF  }
0xc3: {  	(tm) =	ssettm $0x7FFFFFFF  }
tec
execute0_lowered:
.L_overlay_start_1:
0x0: {  	(tag) =	ssettag $0x1  }
0x1: {  	s5 =	rddreg [dreg:$0x0]  }
0x2: {  	s8 =	rddreg [dreg:$0x1]  }
0x3: {  	s2 =	rddreg [dreg:$0x2]  }
0x4: {  	s0 =	rddreg [dreg:$0x3]  }
0x5: {  	s1 =	stileid.u32;
	s4 =	srdreg.scid  }
0x6: {  	s3 =	simm.s32 $0x0;
	s16 =	simm.s32 $0x0;
	s9 =	smul.u32 $0x9E0, s1  }
0x7: {  	s6 =	smul.u32 $0x13C00, s1;
	s7 =	sand.u32 $0x1, s4;
	[smem:$0x7FF] =	sst s3  }
0x8: {  	s4 =	sadd.s32 $0x35C00, s5;
	s14 =	smul.u32 $0x4F000, s1;
	s29 =	sshll.u32 s1, $0x6  }
0x9: {  	s10 =	smul.u32 $0x13C000, s7;
	_ =	strace $0x8000004A;
	s26 =	ssub.s32 $0x2, s7  }
0xa: {  	s30 =	smul.u32 $0x4F0, s7;
	s11 =	sadd.s32 s9, s5;
	s12 =	sshrl.u32 s6, $0x3  }
0xb: {  	s13 =	sshrl.u32 s26, $0x1;
	s28 =	sshrl.u32 s14, $0x2;
	s31 =	sadd.s32 s9, s8  }
0xc: {  	s6 =	sadd.s32 s6, s10;
	s12 =	sadd.s32 s12, s5;
	s10 =	ssub.s32 s26, s13  }
0xd: {  	s14 =	sadd.s32 s28, s2;
	s11 =	sadd.s32 s30, s11;
	s13 =	simm.s32 $0x80  }
0xe: {  	s6 =	sshrl.u32 s6, $0x3;
	s8 =	smax.u32 s10, $0x1;
	s9 =	sadd.s32 $0x4600, s11  }
0xf: {  	s10 =	sadd.s32 s30, s31;
	s11 =	sshrl.u32 s14, $0x3;
	s14 =	simm.s32 $0x100  }
0x10: {  	s15 =	sadd.s32 s6, s5;
	s5 =	sadd.s32 $0xE400, s12;
	s6 =	sor.u32 $0x1C02, s29  }
0x11: {  	s12 =	simm.s32 $0x2;
	s7 =	sadd.s32 $0x5CE00, s15;
	s15 =	simm.s32 $0x1  }
.LBB2_1:
0x12: {  	[spmem:s11], [sflag:s6] =	dma.local [hbm:s5], $0x2780  }
0x13: {  	_ =	swait.ge [sflag:s12], $0x2780  }
0x14: {  	[sflag:s12] =	ssyncset.done $0x0  }
0x15: {  	[sflag:s12] =	ssyncadd.s32 $0xFFFFD880  }
0x16: {  	s17 =	sadd.s32 $0x0, s10;
	[bflag:$0x0] =	sbarrier.arrive $0xFFFF  }
0x17: {  	[tilespmem:s3], [sflag:$0x2] =	stream.linear.gather [hbm4b:s17+s3], $0x80, $0x38;
	[tilespmem:$0x17D00] =	vst v63  }
0x18: {  	_ =	swait.ge [sflag:s12], $0x80  }
0x19: {  	[sflag:s12] =	ssyncset.done $0x0  }
0x1a: {  	s31 =	sadd.s32 $0x0, s9;
	[sflag:s12] =	ssyncadd.s32 $0xFFFFFF80  }
0x1b: {  	[tilespmem:s13], [sflag:$0x2] =	stream.linear.gather [hbm4b:s31+s3], $0x80, $0x38;
	[tilespmem:$0x17D00] =	vst v63  }
0x1c: {  	_ =	swait.ge [sflag:s12], $0x80  }
0x1d: {  	[sflag:s12] =	ssyncset.done $0x0  }
0x1e: {  	[sflag:s12] =	ssyncadd.s32 $0xFFFFFF80  }
0x1f: {  	[tilespmem:s14], [sflag:$0x1] =	stream.indirect.gather [hbm4b:s4+s13], $0x80, s3, s13, $0xb8;
	[tilespmem:$0x17D00] =	vst v63  }
0x20: {  	_ =	swait.ge [sflag:s15], $0x4000  }
0x21: {  	[sflag:s15] =	ssyncset.done $0x0  }
0x22: {  	[sflag:s15] =	ssyncadd.s32 $0xFFFFC000  }
0x23: {  	[spmem:s2] =	stream.indirect.scatter.add.f32 [tilespmem:s14], [sflag:$0x2], $0x80, s13, s13, $0xb8;
	[tilespmem:$0x17D00] =	vst v63  }
0x24: {  	_ =	swait.ge [sflag:s12], $0x4000  }
0x25: {  	s18 =	simm.s32 $0x20;
	s17 =	simm.s32 $0x10;
	[sflag:s12] =	ssyncset.done $0x0  }
.LBB2_2:
0x26: {  	s19 =	sadd.s32 s17, s10  }
0x27: {  	[sflag:s12] =	ssyncadd.s32 $0xFFFFC000;
	s20 =	smov.u32 s18;
	s21 =	sadd.s32 $0x10, s18  }
0x28: {  	[tilespmem:s3], [sflag:$0x2] =	stream.linear.gather [hbm4b:s19+s3], $0x80, $0x38;
	[tilespmem:$0x17D00] =	vst v63  }
0x29: {  	p0 =	sne.s32 s18, $0x4E0;
	_ =	swait.ge [sflag:s12], $0x80  }
0x2a: {  	[sflag:s12] =	ssyncset.done $0x0  }
0x2b: {  	s18 =	sadd.s32 s17, s9;
	s17 =	smov.u32 s20;
	[sflag:s12] =	ssyncadd.s32 $0xFFFFFF80  }
0x2c: {  	[tilespmem:s13], [sflag:$0x2] =	stream.linear.gather [hbm4b:s18+s3], $0x80, $0x38;
	[tilespmem:$0x17D00] =	vst v63  }
0x2d: {  	_ =	swait.ge [sflag:s12], $0x80  }
0x2e: {  	[sflag:s12] =	ssyncset.done $0x0  }
0x2f: {  	[sflag:s12] =	ssyncadd.s32 $0xFFFFFF80  }
0x30: {  	[tilespmem:s14], [sflag:$0x1] =	stream.indirect.gather [hbm4b:s4+s13], $0x80, s3, s13, $0xb8;
	[tilespmem:$0x17D00] =	vst v63  }
0x31: {  	_ =	swait.ge [sflag:s15], $0x4000  }
.Ltmp0:
0x32: {  	[sflag:s15] =	ssyncset.done $0x0;
	(pc) =	sbr.rel @p0 .LBB2_2-.Ltmp0, $4  }
0x33: {  	[sflag:s15] =	ssyncadd.s32 $0xFFFFC000  }
0x34: {  	[spmem:s2] =	stream.indirect.scatter.add.f32 [tilespmem:s14], [sflag:$0x2], $0x80, s13, s13, $0xb8;
	[tilespmem:$0x17D00] =	vst v63  }
0x35: {  	_ =	swait.ge [sflag:s12], $0x4000  }
0x36: {  	s18 =	smov.u32 s21;
	[sflag:s12] =	ssyncset.done $0x0  }
0x37: {  	s18 =	sadd.s32 s17, s10;
	[sflag:s12] =	ssyncadd.s32 $0xFFFFC000  }
0x38: {  	[tilespmem:s3], [sflag:$0x2] =	stream.linear.gather [hbm4b:s18+s3], $0x80, $0x38;
	[tilespmem:$0x17D00] =	vst v63  }
0x39: {  	_ =	swait.ge [sflag:s12], $0x80  }
0x3a: {  	[sflag:s12] =	ssyncset.done $0x0  }
0x3b: {  	s31 =	sadd.s32 s17, s9;
	[sflag:s12] =	ssyncadd.s32 $0xFFFFFF80  }
0x3c: {  	[tilespmem:s13], [sflag:$0x2] =	stream.linear.gather [hbm4b:s31+s3], $0x80, $0x38;
	[tilespmem:$0x17D00] =	vst v63  }
0x3d: {  	_ =	swait.ge [sflag:s12], $0x80  }
0x3e: {  	[sflag:s12] =	ssyncset.done $0x0  }
0x3f: {  	[sflag:s12] =	ssyncadd.s32 $0xFFFFFF80  }
0x40: {  	[tilespmem:s14], [sflag:$0x1] =	stream.indirect.gather [hbm4b:s4+s13], $0x80, s3, s13, $0xb8;
	[tilespmem:$0x17D00] =	vst v63  }
0x41: {  	_ =	swait.ge [sflag:s15], $0x4000  }
0x42: {  	[sflag:s15] =	ssyncset.done $0x0  }
0x43: {  	[sflag:s15] =	ssyncadd.s32 $0xFFFFC000  }
0x44: {  	[spmem:s2] =	stream.indirect.scatter.add.f32 [tilespmem:s14], [sflag:$0x2], $0x80, s13, s13, $0xb8;
	[tilespmem:$0x17D00] =	vst v63  }
0x45: {  	_ =	swait.ge [sflag:s12], $0x4000  }
0x46: {  	s16 =	sadd.s32 $0x1, s16;
	[sflag:s12] =	ssyncset.done $0x0  }
0x47: {  	p0 =	sne.s32 s16, s8;
	[sflag:s12] =	ssyncadd.s32 $0xFFFFC000  }
.Ltmp1:
0x48: {  	[bflag:$0x0] =	sbarrier.arrive $0xFFFF;
	(pc) =	sbr.rel @p0 .LBB2_1-.Ltmp1, $4  }
0x49: {  	[hbm:s7], [sflag:s6] =	dma.local [spmem:s11], $0x2780  }
0x4a: {  	_ =	swait.ge [sflag:s12], $0x2780  }
0x4b: {  	[sflag:s12] =	ssyncset.done $0x0  }
0x4c: {  	[sflag:s12] =	ssyncadd.s32 $0xFFFFD880  }
0x4d: {  	_ =	sfence.sel $0x180000  }
0x4e: {  	[bflag:$0x0] =	sbarrier.arrive $0xFFFF  }
0x4f: {  	p0 =	sne.s32 s1, $0x0;
	_ =	strace $0x9000004A  }
0x50: {  	s0 =	sadd.s32 @!p0 $0x100000, s0;
	[bflag:$0x2] =	sbarrier.arrive $0xFFFF  }
0x51: {  	[sflag:s0] =	ssyncadd.tile.s32 @!p0 $0x1;
	_ =	shalt  }
.Lfunc_end2:
_tile_overlayer_lowered:
.L_overlay_start_2:
0x52: {  	(tag) =	ssettag $0x2  }
0x53: {  	s0 =	rddreg [dreg:$0x0];
	s2 =	stileid.u32  }
0x54: {  	s1 =	rddreg [dreg:$0x1];
	p0 =	sne.s32 s2, $0x0  }
0x55: {  	s3 =	rddreg [dreg:$0x2];
	[bflag:$0x3] =	sbarrier.arrive $0xFFFF;
	s2 =	simm.s32 @!p0 $0x1C02  }
0x56: {  	[timem:s3], [sflag:s2] =	dma.local @!p0 [hbm:s0], s1  }
0x57: {  	s0 =	simm.s32 @!p0 $0x2  }
0x58: {  	_ =	swait.ge @!p0 [sflag:s0], s1  }
0x59: {  	s1 =	ssub.s32 @!p0 $0x0, s1;
	[sflag:s0] =	ssyncset.done @!p0 $0x0  }
0x5a: {  	[sflag:s0] =	ssyncadd.s32 @!p0 s1  }
0x5b: {  	[bflag:$0x3] =	sbarrier.arrive $0xFFFF  }
0x5c: {  	_ =	shalt  }

// kernel: kernel.15.cloned.1.call-start
scs
__scs_entry_jumppad:
0x0: {  	(pc) =	sbr.rel $0x88, $3  }
0x1: {  	(tag) =	ssettag $0x0;
	lr =	simm.s32 $0x1  }
0x2: {  	[smem:$0x3F89] =	sst lr;
	_ =	strace $0xD0000000  }
0x3: {  	_ = 	snop  }
0x4: {  	_ = 	snop  }
0x5: {  	_ = 	snop  }
0x6: {  	_ = 	snop  }
0x7: {  	_ = 	snop  }
__scs_overlays_trampoline_lowered:
0x8: {  	[smem:$0x3F98] =	sst s0  }
0x9: {  	[smem:$0x3F99] =	sst s1  }
0xa: {  	[smem:$0x3F9A] =	sst s2  }
0xb: {  	[smem:$0x3F9B] =	sst s3  }
0xc: {  	[smem:$0x3F9C] =	sst s4  }
0xd: {  	[smem:$0x3F9D] =	sst s5  }
0xe: {  	[smem:$0x3F9E] =	sst s6  }
0xf: {  	[smem:$0x3F9F] =	sst s7  }
0x10: {  	[smem:$0x3FA0] =	sst s8  }
0x11: {  	[smem:$0x3FA1] =	sst s9;
	s0 =	simm.s32 @!p0 $0x0  }
0x12: {  	s1 =	sld [smem:$0x3F87];
	s0 =	simm.s32 @p0 $0x1  }
0x13: {  	[smem:$0x3FA2] =	sst s0;
	s0 =	simm.s32 @!p1 $0x0  }
0x14: {  	s2 =	sld [smem:$0x3F86];
	s0 =	simm.s32 @p1 $0x1  }
0x15: {  	[smem:$0x3FA3] =	sst s0;
	s0 =	simm.s32 @!p2 $0x0  }
0x16: {  	s3 =	sld [smem:$0x3FDB];
	s0 =	simm.s32 @p2 $0x1  }
0x17: {  	s4 =	simm.s32 $0x1BF5;
	[smem:$0x3FA5] =	sst s0  }
0x18: {  	s0 =	sld [smem:$0x3F88];
	_ =	swait.ge [sflag:s4], $0x0  }
0x19: {  	s7 =	sld [smem:$0x3F89]  }
0x1a: {  	s8 =	sadd.s32 $0xFFFFE003, lr  }
0x1b: {  	s9 =	sadd.s32 $0xFFFFFEF7, lr;
	s5 =	simm.s32 $0xFFFFFFFF;
	p2 =	slt.u32 s8, $0xFFFFF086  }
0x1c: {  	p1 =	slt.u32 s9, $0xF7A;
	s5 =	simm.s32 @!p2 $0x0  }
0x1d: {  	s5 =	simm.s32 @p1 $0x1;
	p0 =	seq.s32 s7, s2  }
0x1e: {  	s7 =	smul.u32 @!p0 $0xF7A, s2;
	p2 =	seq.s32 @!p0 s5, $0x0  }
0x1f: {  	s9 =	smul.u32 $0xF7A, s1;
	s8 =	simm.s32 @!p0 $0x1BF5;
	p2 =	por !p2, p0  }
0x20: {  	[sflag:s8] =	ssyncset.s32 @!p0 $0xFFFFF086;
	s6 =	sadd.s32 @!p0 s3, s7;
	s7 =	simm.s32 @!p0 $0x108  }
0x21: {  	s3 =	sadd.s32 s3, s9;
	s6 =	sadd.s32 @!p0 $0x88, s6;
	s7 =	simm.s32 @p2 $0x1082  }
0x22: {  	[simem:s7], [sflag:s8] =	dma.local @!p0 [hbm:s6], $0xF7A  }
0x23: {  	s9 =	sor.u32 $0xD0000000, s2;
	s6 =	simm.s32 $0x108;
	_ =	swait.ge @!p0 [sflag:s8], $0x0  }
0x24: {  	s3 =	sadd.s32 $0x88, s3;
	s6 =	simm.s32 @!p1 $0x1082;
	[sflag:s4] =	ssyncset.s32 $0xFFFFF086  }
0x25: {  	[simem:s6], [sflag:s4] =	dma.local [hbm:s3], $0xF7A  }
0x26: {  	[smem:$0x3F89] =	sst s1;
	(tag) =	ssettag s2;
	_ =	strace s9  }
0x27: {  	s1 =	sld [smem:$0x3F99]  }
0x28: {  	s2 =	sld [smem:$0x3F9A]  }
0x29: {  	s4 =	sld [smem:$0x3F9C]  }
0x2a: {  	p0 =	seq.s32 s5, $0x0;
	s5 =	sld [smem:$0x3F9D]  }
0x2b: {  	s6 =	sld [smem:$0x3F9E]  }
0x2c: {  	s7 =	sld [smem:$0x3F9F]  }
0x2d: {  	s3 =	simm.s32 $0x108;
	s8 =	sld [smem:$0x3FA0]  }
0x2e: {  	s3 =	simm.s32 @!p0 $0x1082;
	s9 =	sld [smem:$0x3FA1]  }
0x2f: {  	lr =	sadd.s32 s0, s3;
	s0 =	sld [smem:$0x3F98]  }
0x30: {  	s3 =	sld [smem:$0x3F9B]  }
0x31: {  	[smem:$0x3FA4] =	sst s10  }
0x32: {  	s10 =	sld [smem:$0x3FA2];
	_ =	sdelay $0x3  }
0x33: {  	p0 =	seq.s32 s10, $0x1;
	s10 =	sld [smem:$0x3FA4];
	_ =	sdelay $0x3  }
0x34: {  	[smem:$0x3FA4] =	sst s10  }
0x35: {  	s10 =	sld [smem:$0x3FA3];
	_ =	sdelay $0x3  }
0x36: {  	p1 =	seq.s32 s10, $0x1;
	s10 =	sld [smem:$0x3FA4];
	_ =	sdelay $0x3  }
0x37: {  	[smem:$0x3FA4] =	sst s10  }
0x38: {  	s10 =	sld [smem:$0x3FA5]  }
0x39: {  	_ = 	snop;
	(pc) =	sbr.ind lr, $3  }
0x3a: {  	_ = 	snop  }
0x3b: {  	_ = 	snop  }
0x3c: {  	p2 =	seq.s32 s10, $0x1;
	s10 =	sld [smem:$0x3FA4]  }
0x3d: {  	_ =	shalt  }
0x3e: {  	_ =	shalt  }
0x3f: {  	_ =	shalt  }
0x40: {  	_ =	shalt  }
0x41: {  	_ =	shalt  }
0x42: {  	_ =	shalt  }
0x43: {  	_ =	shalt  }
0x44: {  	_ =	shalt  }
0x45: {  	_ =	shalt  }
0x46: {  	_ =	shalt  }
0x47: {  	_ =	shalt  }
0x48: {  	_ =	shalt  }
0x49: {  	_ =	shalt  }
0x4a: {  	_ =	shalt  }
0x4b: {  	_ =	shalt  }
0x4c: {  	_ =	shalt  }
0x4d: {  	_ =	shalt  }
0x4e: {  	_ =	shalt  }
0x4f: {  	_ =	shalt  }
0x50: {  	_ =	shalt  }
0x51: {  	_ =	shalt  }
0x52: {  	_ =	shalt  }
0x53: {  	_ =	shalt  }
0x54: {  	_ =	shalt  }
0x55: {  	_ =	shalt  }
0x56: {  	_ =	shalt  }
0x57: {  	_ =	shalt  }
0x58: {  	_ =	shalt  }
0x59: {  	_ =	shalt  }
0x5a: {  	_ =	shalt  }
0x5b: {  	_ =	shalt  }
0x5c: {  	_ =	shalt  }
0x5d: {  	_ =	shalt  }
0x5e: {  	_ =	shalt  }
0x5f: {  	_ =	shalt  }
0x60: {  	_ =	shalt  }
0x61: {  	_ =	shalt  }
0x62: {  	_ =	shalt  }
0x63: {  	_ =	shalt  }
0x64: {  	_ =	shalt  }
0x65: {  	_ =	shalt  }
0x66: {  	_ =	shalt  }
0x67: {  	_ =	shalt  }
0x68: {  	_ =	shalt  }
0x69: {  	_ =	shalt  }
0x6a: {  	_ =	shalt  }
0x6b: {  	_ =	shalt  }
0x6c: {  	_ =	shalt  }
0x6d: {  	_ =	shalt  }
0x6e: {  	_ =	shalt  }
0x6f: {  	_ =	shalt  }
0x70: {  	_ =	shalt  }
0x71: {  	_ =	shalt  }
0x72: {  	_ =	shalt  }
0x73: {  	_ =	shalt  }
0x74: {  	_ =	shalt  }
0x75: {  	_ =	shalt  }
0x76: {  	_ =	shalt  }
0x77: {  	_ =	shalt  }
0x78: {  	_ =	shalt  }
0x79: {  	_ =	shalt  }
0x7a: {  	_ =	shalt  }
0x7b: {  	_ =	shalt  }
0x7c: {  	_ =	shalt  }
0x7d: {  	_ =	shalt  }
0x7e: {  	_ =	shalt  }
0x7f: {  	_ =	shalt  }
0x80: {  	_ =	shalt  }
0x81: {  	_ =	shalt  }
0x82: {  	_ =	shalt  }
0x83: {  	_ =	shalt  }
0x84: {  	_ =	shalt  }
0x85: {  	_ =	shalt  }
0x86: {  	_ =	shalt  }
0x87: {  	_ =	shalt  }
.Lfunc_end0:
.L_simem_size_0:
called_computation.2_lowered:
.L_overlay_start_0:
0x88: {  	s2 =	sld [smem:$0x3FD9]  }
0x89: {  	s3 =	sld [smem:$0x3FFE];
	_ =	sdelay $0x1  }
0x8a: {  	s1 =	srdreg.scid  }
0x8b: {  	s0 =	sand.u32 $0x1, s1  }
0x8c: {  	s17 =	sshll.u32 s0, $0xA;
	s2 =	sadd.s32 s3, s2  }
0x8d: {  	s2 =	sadd.s32 s2, s17  }
0x8e: {  	[smem:$0x3FB0] =	sst s2  }
0x8f: {  	_ = 	snop  }
0x90: {  	s2 =	sld [smem:$0x3FD0];
	(tm) =	ssettm $0x1  }
0x91: {  	s18 =	sld [smem:$0x3FFB];
	_ =	sdelay $0x3  }
0x92: {  	_ =	strace s18  }
0x93: {  	s3 =	sld [smem:$0x3FFC];
	_ =	sdelay $0x3  }
0x94: {  	_ =	strace s3  }
0x95: {  	s3 =	sld [smem:$0x3FFD];
	_ =	sdelay $0x3  }
0x96: {  	_ =	strace s3  }
0x97: {  	_ =	strace $0x8FFFFFFF  }
0x98: {  	s19 =	sld [smem:$0x3FDB];
	_ =	sdelay $0x1  }
0x99: {  	s4 =	simm.s32 $_scs_section_size  }
0x9a: {  	s5 =	simm.s32 $_size__tile_overlayer_lowered;
	s6 =	simm.s32 $_tile_overlayer_lowered  }
0x9b: {  	s22 =	simm.s32 $0x1BFF;
	s21 =	sshll.u32 s6, $0x1;
	s3 =	sadd.s32 s4, s19  }
0x9c: {  	s7 =	simm.s32 $0x0;
	s20 =	sshll.u32 s5, $0x1;
	s5 =	sadd.s32 s21, s3  }
0x9d: {  	[timem:s7], [sflag:s22] =	dma.local [hbm:s5], s20  }
0x9e: {  	_ =	swait.ge [sflag:s22], s20  }
0x9f: {  	s4 =	ssub.s32 $0x0, s20;
	[sflag:s22] =	ssyncset.done $0x0  }
0xa0: {  	[sflag:s22] =	ssyncadd.s32 s4;
	_ =	sdelay $0x1  }
0xa1: {  	s23 =	simm.s32 $0x1B8B  }
0xa2: {  	_ =	swait.ge [sflag:s23], $0x1  }
0xa3: {  	[sflag:s23] =	ssyncset.done $0x0  }
0xa4: {  	s25 =	simm.s32 $0x1B8E;
	s24 =	sld [smem:$0x3FFE];
	[sflag:s23] =	ssyncadd.s32 $0xFFFFFFFF  }
0xa5: {  	s26 =	simm.s32 $execute0_lowered;
	[smem:$0x3FD2] =	sst s25  }
0xa6: {  	s5 =	sshll.u32 s26, $0x1;
	_ =	strace $0x8000004C;
	[dreg:$0x1] =	wrdreg $0xFFFFFFFF  }
0xa7: {  	s28 =	simm.s32 $_size_execute0_lowered;
	s3 =	sadd.s32 s3, s5;
	[dreg:$0x0] =	wrdreg $0x0  }
0xa8: {  	s5 =	sshll.u32 s28, $0x1;
	[dreg:$0x2] =	wrdreg s3  }
0xa9: {  	[dreg:$0x3] =	wrdreg s5  }
0xaa: {  	[dreg:$0x4] =	wrdreg $0xC0  }
0xab: {  	_ =	task [dreg:s7], $0x5FFFF  }
0xac: {  	[dreg:$0x1] =	wrdreg $0xFFFFFFFF  }
0xad: {  	[dreg:$0x0] =	wrdreg $0x60  }
0xae: {  	[dreg:$0x2] =	wrdreg s24  }
0xaf: {  	[dreg:$0x3] =	wrdreg s2  }
0xb0: {  	[dreg:$0x4] =	wrdreg $0x41000  }
0xb1: {  	[dreg:$0x5] =	wrdreg $0x9  }
0xb2: {  	_ =	task.clear_ibuf [dreg:s7], $0x6FFFF;
	_ =	strace $0x9000004C  }
0xb3: {  	s29 =	simm.s32 $0x9;
	_ =	strace $0x8000004E  }
0xb4: {  	_ =	swait.ge [sflag:s29], $0x1  }
0xb5: {  	[sflag:s29] =	ssyncadd.s32 $0xFFFFFFFF  }
0xb6: {  	_ =	strace $0x9000004E  }
0xb7: {  	_ =	sfence  }
0xb8: {  	s30 =	sld [smem:$0x0];
	_ =	sdelay $0x2  }
0xb9: {  	s31 =	sshll.u32 s1, $0xD;
	s1 =	sshrl.u32 s1, $0x2  }
0xba: {  	s3 =	sand.u32 $0x4000, s31;
	s1 =	sadd.s32 s1, s30  }
0xbb: {  	s0 =	sor.u32 s3, s0;
	s1 =	sshll.u32 s1, $0x11  }
0xbc: {  	s0 =	sor.u32 s1, s0  }
0xbd: {  	s0 =	sadd.s32 $0x8F2B, s0  }
0xbe: {  	[sflag:s0] =	ssyncadd.remote.s32 $0x1  }
0xbf: {  	_ =	sfence.sel $0xFFFF  }
0xc0: {  	[dreg:$0x0] =	wrdreg $0xFFFFFFFF;
	(pc) =	sbr.abs _section_cstart, $3  }
0xc1: {  	[dreg:$0x1] =	wrdreg $0xFFFFFFFF  }
0xc2: {  	_ =	task.clear_ibuf [dreg:s7], $0x2FFFF;
	_ =	strace $0x9FFFFFFF  }
0xc3: {  	(tm) =	ssettm $0x7FFFFFFF  }
tec
execute0_lowered:
.L_overlay_start_1:
0x0: {  	(tag) =	ssettag $0x1  }
0x1: {  	s5 =	rddreg [dreg:$0x0]  }
0x2: {  	s8 =	rddreg [dreg:$0x1]  }
0x3: {  	s2 =	rddreg [dreg:$0x2]  }
0x4: {  	s0 =	rddreg [dreg:$0x3]  }
0x5: {  	s1 =	stileid.u32;
	s4 =	srdreg.scid  }
0x6: {  	s3 =	simm.s32 $0x0;
	s16 =	simm.s32 $0x0;
	s9 =	smul.u32 $0x9E0, s1  }
0x7: {  	s6 =	smul.u32 $0x13C00, s1;
	s7 =	sand.u32 $0x1, s4;
	[smem:$0x7FF] =	sst s3  }
0x8: {  	s4 =	sadd.s32 $0x35C00, s5;
	s14 =	smul.u32 $0x4F000, s1;
	s29 =	sshll.u32 s1, $0x6  }
0x9: {  	s10 =	smul.u32 $0x13C000, s7;
	_ =	strace $0x8000004D;
	s26 =	ssub.s32 $0x2, s7  }
0xa: {  	s30 =	smul.u32 $0x4F0, s7;
	s11 =	sadd.s32 s9, s5;
	s12 =	sshrl.u32 s6, $0x3  }
0xb: {  	s13 =	sshrl.u32 s26, $0x1;
	s28 =	sshrl.u32 s14, $0x2;
	s31 =	sadd.s32 s9, s8  }
0xc: {  	s6 =	sadd.s32 s6, s10;
	s12 =	sadd.s32 s12, s5;
	s10 =	ssub.s32 s26, s13  }
0xd: {  	s14 =	sadd.s32 s28, s2;
	s11 =	sadd.s32 s30, s11;
	s13 =	simm.s32 $0x80  }
0xe: {  	s6 =	sshrl.u32 s6, $0x3;
	s8 =	smax.u32 s10, $0x1;
	s9 =	sadd.s32 $0x4600, s11  }
0xf: {  	s10 =	sadd.s32 s30, s31;
	s11 =	sshrl.u32 s14, $0x3;
	s14 =	simm.s32 $0x100  }
0x10: {  	s15 =	sadd.s32 s6, s5;
	s5 =	sadd.s32 $0xE400, s12;
	s6 =	sor.u32 $0x1C02, s29  }
0x11: {  	s12 =	simm.s32 $0x2;
	s7 =	sadd.s32 $0x5CE00, s15;
	s15 =	simm.s32 $0x1  }
.LBB2_1:
0x12: {  	[spmem:s11], [sflag:s6] =	dma.local [hbm:s5], $0x2780  }
0x13: {  	_ =	swait.ge [sflag:s12], $0x2780  }
0x14: {  	[sflag:s12] =	ssyncset.done $0x0  }
0x15: {  	[sflag:s12] =	ssyncadd.s32 $0xFFFFD880  }
0x16: {  	s17 =	sadd.s32 $0x0, s10;
	[bflag:$0x0] =	sbarrier.arrive $0xFFFF  }
0x17: {  	[tilespmem:s3], [sflag:$0x2] =	stream.linear.gather [hbm4b:s17+s3], $0x80, $0x38;
	[tilespmem:$0x17D00] =	vst v63  }
0x18: {  	_ =	swait.ge [sflag:s12], $0x80  }
0x19: {  	[sflag:s12] =	ssyncset.done $0x0  }
0x1a: {  	s31 =	sadd.s32 $0x0, s9;
	[sflag:s12] =	ssyncadd.s32 $0xFFFFFF80  }
0x1b: {  	[tilespmem:s13], [sflag:$0x2] =	stream.linear.gather [hbm4b:s31+s3], $0x80, $0x38;
	[tilespmem:$0x17D00] =	vst v63  }
0x1c: {  	_ =	swait.ge [sflag:s12], $0x80  }
0x1d: {  	[sflag:s12] =	ssyncset.done $0x0  }
0x1e: {  	[sflag:s12] =	ssyncadd.s32 $0xFFFFFF80  }
0x1f: {  	[tilespmem:s14], [sflag:$0x1] =	stream.indirect.gather [hbm4b:s4+s13], $0x80, s3, s13, $0xb8;
	[tilespmem:$0x17D00] =	vst v63  }
0x20: {  	_ =	swait.ge [sflag:s15], $0x4000  }
0x21: {  	[sflag:s15] =	ssyncset.done $0x0  }
0x22: {  	[sflag:s15] =	ssyncadd.s32 $0xFFFFC000  }
0x23: {  	[spmem:s2] =	stream.indirect.scatter.add.f32 [tilespmem:s14], [sflag:$0x2], $0x80, s13, s13, $0xb8;
	[tilespmem:$0x17D00] =	vst v63  }
0x24: {  	_ =	swait.ge [sflag:s12], $0x4000  }
0x25: {  	s18 =	simm.s32 $0x20;
	s17 =	simm.s32 $0x10;
	[sflag:s12] =	ssyncset.done $0x0  }
.LBB2_2:
0x26: {  	s19 =	sadd.s32 s17, s10  }
0x27: {  	[sflag:s12] =	ssyncadd.s32 $0xFFFFC000;
	s20 =	smov.u32 s18;
	s21 =	sadd.s32 $0x10, s18  }
0x28: {  	[tilespmem:s3], [sflag:$0x2] =	stream.linear.gather [hbm4b:s19+s3], $0x80, $0x38;
	[tilespmem:$0x17D00] =	vst v63  }
0x29: {  	p0 =	sne.s32 s18, $0x4E0;
	_ =	swait.ge [sflag:s12], $0x80  }
0x2a: {  	[sflag:s12] =	ssyncset.done $0x0  }
0x2b: {  	s18 =	sadd.s32 s17, s9;
	s17 =	smov.u32 s20;
	[sflag:s12] =	ssyncadd.s32 $0xFFFFFF80  }
0x2c: {  	[tilespmem:s13], [sflag:$0x2] =	stream.linear.gather [hbm4b:s18+s3], $0x80, $0x38;
	[tilespmem:$0x17D00] =	vst v63  }
0x2d: {  	_ =	swait.ge [sflag:s12], $0x80  }
0x2e: {  	[sflag:s12] =	ssyncset.done $0x0  }
0x2f: {  	[sflag:s12] =	ssyncadd.s32 $0xFFFFFF80  }
0x30: {  	[tilespmem:s14], [sflag:$0x1] =	stream.indirect.gather [hbm4b:s4+s13], $0x80, s3, s13, $0xb8;
	[tilespmem:$0x17D00] =	vst v63  }
0x31: {  	_ =	swait.ge [sflag:s15], $0x4000  }
.Ltmp0:
0x32: {  	[sflag:s15] =	ssyncset.done $0x0;
	(pc) =	sbr.rel @p0 .LBB2_2-.Ltmp0, $4  }
0x33: {  	[sflag:s15] =	ssyncadd.s32 $0xFFFFC000  }
0x34: {  	[spmem:s2] =	stream.indirect.scatter.add.f32 [tilespmem:s14], [sflag:$0x2], $0x80, s13, s13, $0xb8;
	[tilespmem:$0x17D00] =	vst v63  }
0x35: {  	_ =	swait.ge [sflag:s12], $0x4000  }
0x36: {  	s18 =	smov.u32 s21;
	[sflag:s12] =	ssyncset.done $0x0  }
0x37: {  	s18 =	sadd.s32 s17, s10;
	[sflag:s12] =	ssyncadd.s32 $0xFFFFC000  }
0x38: {  	[tilespmem:s3], [sflag:$0x2] =	stream.linear.gather [hbm4b:s18+s3], $0x80, $0x38;
	[tilespmem:$0x17D00] =	vst v63  }
0x39: {  	_ =	swait.ge [sflag:s12], $0x80  }
0x3a: {  	[sflag:s12] =	ssyncset.done $0x0  }
0x3b: {  	s31 =	sadd.s32 s17, s9;
	[sflag:s12] =	ssyncadd.s32 $0xFFFFFF80  }
0x3c: {  	[tilespmem:s13], [sflag:$0x2] =	stream.linear.gather [hbm4b:s31+s3], $0x80, $0x38;
	[tilespmem:$0x17D00] =	vst v63  }
0x3d: {  	_ =	swait.ge [sflag:s12], $0x80  }
0x3e: {  	[sflag:s12] =	ssyncset.done $0x0  }
0x3f: {  	[sflag:s12] =	ssyncadd.s32 $0xFFFFFF80  }
0x40: {  	[tilespmem:s14], [sflag:$0x1] =	stream.indirect.gather [hbm4b:s4+s13], $0x80, s3, s13, $0xb8;
	[tilespmem:$0x17D00] =	vst v63  }
0x41: {  	_ =	swait.ge [sflag:s15], $0x4000  }
0x42: {  	[sflag:s15] =	ssyncset.done $0x0  }
0x43: {  	[sflag:s15] =	ssyncadd.s32 $0xFFFFC000  }
0x44: {  	[spmem:s2] =	stream.indirect.scatter.add.f32 [tilespmem:s14], [sflag:$0x2], $0x80, s13, s13, $0xb8;
	[tilespmem:$0x17D00] =	vst v63  }
0x45: {  	_ =	swait.ge [sflag:s12], $0x4000  }
0x46: {  	s16 =	sadd.s32 $0x1, s16;
	[sflag:s12] =	ssyncset.done $0x0  }
0x47: {  	p0 =	sne.s32 s16, s8;
	[sflag:s12] =	ssyncadd.s32 $0xFFFFC000  }
.Ltmp1:
0x48: {  	[bflag:$0x0] =	sbarrier.arrive $0xFFFF;
	(pc) =	sbr.rel @p0 .LBB2_1-.Ltmp1, $4  }
0x49: {  	[hbm:s7], [sflag:s6] =	dma.local [spmem:s11], $0x2780  }
0x4a: {  	_ =	swait.ge [sflag:s12], $0x2780  }
0x4b: {  	[sflag:s12] =	ssyncset.done $0x0  }
0x4c: {  	[sflag:s12] =	ssyncadd.s32 $0xFFFFD880  }
0x4d: {  	_ =	sfence.sel $0x180000  }
0x4e: {  	[bflag:$0x0] =	sbarrier.arrive $0xFFFF  }
0x4f: {  	p0 =	sne.s32 s1, $0x0;
	_ =	strace $0x9000004D  }
0x50: {  	s0 =	sadd.s32 @!p0 $0x100000, s0;
	[bflag:$0x2] =	sbarrier.arrive $0xFFFF  }
0x51: {  	[sflag:s0] =	ssyncadd.tile.s32 @!p0 $0x1;
	_ =	shalt  }
.Lfunc_end2:
_tile_overlayer_lowered:
.L_overlay_start_2:
0x52: {  	(tag) =	ssettag $0x2  }
0x53: {  	s0 =	rddreg [dreg:$0x0];
	s2 =	stileid.u32  }
0x54: {  	s1 =	rddreg [dreg:$0x1];
	p0 =	sne.s32 s2, $0x0  }
0x55: {  	s3 =	rddreg [dreg:$0x2];
	[bflag:$0x3] =	sbarrier.arrive $0xFFFF;
	s2 =	simm.s32 @!p0 $0x1C02  }
0x56: {  	[timem:s3], [sflag:s2] =	dma.local @!p0 [hbm:s0], s1  }
0x57: {  	s0 =	simm.s32 @!p0 $0x2  }
0x58: {  	_ =	swait.ge @!p0 [sflag:s0], s1  }
0x59: {  	s1 =	ssub.s32 @!p0 $0x0, s1;
	[sflag:s0] =	ssyncset.done @!p0 $0x0  }
0x5a: {  	[sflag:s0] =	ssyncadd.s32 @!p0 s1  }
0x5b: {  	[bflag:$0x3] =	sbarrier.arrive $0xFFFF  }
0x5c: {  	_ =	shalt  }

// kernel: kernel.9.cloned.1.call-start
scs
__scs_entry_jumppad:
0x0: {  	(pc) =	sbr.rel $0x88, $3  }
0x1: {  	(tag) =	ssettag $0x0;
	lr =	simm.s32 $0x1  }
0x2: {  	[smem:$0x3F89] =	sst lr;
	_ =	strace $0xD0000000  }
0x3: {  	_ = 	snop  }
0x4: {  	_ = 	snop  }
0x5: {  	_ = 	snop  }
0x6: {  	_ = 	snop  }
0x7: {  	_ = 	snop  }
__scs_overlays_trampoline_lowered:
0x8: {  	[smem:$0x3F98] =	sst s0  }
0x9: {  	[smem:$0x3F99] =	sst s1  }
0xa: {  	[smem:$0x3F9A] =	sst s2  }
0xb: {  	[smem:$0x3F9B] =	sst s3  }
0xc: {  	[smem:$0x3F9C] =	sst s4  }
0xd: {  	[smem:$0x3F9D] =	sst s5  }
0xe: {  	[smem:$0x3F9E] =	sst s6  }
0xf: {  	[smem:$0x3F9F] =	sst s7  }
0x10: {  	[smem:$0x3FA0] =	sst s8  }
0x11: {  	[smem:$0x3FA1] =	sst s9;
	s0 =	simm.s32 @!p0 $0x0  }
0x12: {  	s1 =	sld [smem:$0x3F87];
	s0 =	simm.s32 @p0 $0x1  }
0x13: {  	[smem:$0x3FA2] =	sst s0;
	s0 =	simm.s32 @!p1 $0x0  }
0x14: {  	s2 =	sld [smem:$0x3F86];
	s0 =	simm.s32 @p1 $0x1  }
0x15: {  	[smem:$0x3FA3] =	sst s0;
	s0 =	simm.s32 @!p2 $0x0  }
0x16: {  	s3 =	sld [smem:$0x3FDB];
	s0 =	simm.s32 @p2 $0x1  }
0x17: {  	s4 =	simm.s32 $0x1BF5;
	[smem:$0x3FA5] =	sst s0  }
0x18: {  	s0 =	sld [smem:$0x3F88];
	_ =	swait.ge [sflag:s4], $0x0  }
0x19: {  	s7 =	sld [smem:$0x3F89]  }
0x1a: {  	s8 =	sadd.s32 $0xFFFFE003, lr  }
0x1b: {  	s9 =	sadd.s32 $0xFFFFFEF7, lr;
	s5 =	simm.s32 $0xFFFFFFFF;
	p2 =	slt.u32 s8, $0xFFFFF086  }
0x1c: {  	p1 =	slt.u32 s9, $0xF7A;
	s5 =	simm.s32 @!p2 $0x0  }
0x1d: {  	s5 =	simm.s32 @p1 $0x1;
	p0 =	seq.s32 s7, s2  }
0x1e: {  	s7 =	smul.u32 @!p0 $0xF7A, s2;
	p2 =	seq.s32 @!p0 s5, $0x0  }
0x1f: {  	s9 =	smul.u32 $0xF7A, s1;
	s8 =	simm.s32 @!p0 $0x1BF5;
	p2 =	por !p2, p0  }
0x20: {  	[sflag:s8] =	ssyncset.s32 @!p0 $0xFFFFF086;
	s6 =	sadd.s32 @!p0 s3, s7;
	s7 =	simm.s32 @!p0 $0x108  }
0x21: {  	s3 =	sadd.s32 s3, s9;
	s6 =	sadd.s32 @!p0 $0x88, s6;
	s7 =	simm.s32 @p2 $0x1082  }
0x22: {  	[simem:s7], [sflag:s8] =	dma.local @!p0 [hbm:s6], $0xF7A  }
0x23: {  	s9 =	sor.u32 $0xD0000000, s2;
	s6 =	simm.s32 $0x108;
	_ =	swait.ge @!p0 [sflag:s8], $0x0  }
0x24: {  	s3 =	sadd.s32 $0x88, s3;
	s6 =	simm.s32 @!p1 $0x1082;
	[sflag:s4] =	ssyncset.s32 $0xFFFFF086  }
0x25: {  	[simem:s6], [sflag:s4] =	dma.local [hbm:s3], $0xF7A  }
0x26: {  	[smem:$0x3F89] =	sst s1;
	(tag) =	ssettag s2;
	_ =	strace s9  }
0x27: {  	s1 =	sld [smem:$0x3F99]  }
0x28: {  	s2 =	sld [smem:$0x3F9A]  }
0x29: {  	s4 =	sld [smem:$0x3F9C]  }
0x2a: {  	p0 =	seq.s32 s5, $0x0;
	s5 =	sld [smem:$0x3F9D]  }
0x2b: {  	s6 =	sld [smem:$0x3F9E]  }
0x2c: {  	s7 =	sld [smem:$0x3F9F]  }
0x2d: {  	s3 =	simm.s32 $0x108;
	s8 =	sld [smem:$0x3FA0]  }
0x2e: {  	s3 =	simm.s32 @!p0 $0x1082;
	s9 =	sld [smem:$0x3FA1]  }
0x2f: {  	lr =	sadd.s32 s0, s3;
	s0 =	sld [smem:$0x3F98]  }
0x30: {  	s3 =	sld [smem:$0x3F9B]  }
0x31: {  	[smem:$0x3FA4] =	sst s10  }
0x32: {  	s10 =	sld [smem:$0x3FA2];
	_ =	sdelay $0x3  }
0x33: {  	p0 =	seq.s32 s10, $0x1;
	s10 =	sld [smem:$0x3FA4];
	_ =	sdelay $0x3  }
0x34: {  	[smem:$0x3FA4] =	sst s10  }
0x35: {  	s10 =	sld [smem:$0x3FA3];
	_ =	sdelay $0x3  }
0x36: {  	p1 =	seq.s32 s10, $0x1;
	s10 =	sld [smem:$0x3FA4];
	_ =	sdelay $0x3  }
0x37: {  	[smem:$0x3FA4] =	sst s10  }
0x38: {  	s10 =	sld [smem:$0x3FA5]  }
0x39: {  	_ = 	snop;
	(pc) =	sbr.ind lr, $3  }
0x3a: {  	_ = 	snop  }
0x3b: {  	_ = 	snop  }
0x3c: {  	p2 =	seq.s32 s10, $0x1;
	s10 =	sld [smem:$0x3FA4]  }
0x3d: {  	_ =	shalt  }
0x3e: {  	_ =	shalt  }
0x3f: {  	_ =	shalt  }
0x40: {  	_ =	shalt  }
0x41: {  	_ =	shalt  }
0x42: {  	_ =	shalt  }
0x43: {  	_ =	shalt  }
0x44: {  	_ =	shalt  }
0x45: {  	_ =	shalt  }
0x46: {  	_ =	shalt  }
0x47: {  	_ =	shalt  }
0x48: {  	_ =	shalt  }
0x49: {  	_ =	shalt  }
0x4a: {  	_ =	shalt  }
0x4b: {  	_ =	shalt  }
0x4c: {  	_ =	shalt  }
0x4d: {  	_ =	shalt  }
0x4e: {  	_ =	shalt  }
0x4f: {  	_ =	shalt  }
0x50: {  	_ =	shalt  }
0x51: {  	_ =	shalt  }
0x52: {  	_ =	shalt  }
0x53: {  	_ =	shalt  }
0x54: {  	_ =	shalt  }
0x55: {  	_ =	shalt  }
0x56: {  	_ =	shalt  }
0x57: {  	_ =	shalt  }
0x58: {  	_ =	shalt  }
0x59: {  	_ =	shalt  }
0x5a: {  	_ =	shalt  }
0x5b: {  	_ =	shalt  }
0x5c: {  	_ =	shalt  }
0x5d: {  	_ =	shalt  }
0x5e: {  	_ =	shalt  }
0x5f: {  	_ =	shalt  }
0x60: {  	_ =	shalt  }
0x61: {  	_ =	shalt  }
0x62: {  	_ =	shalt  }
0x63: {  	_ =	shalt  }
0x64: {  	_ =	shalt  }
0x65: {  	_ =	shalt  }
0x66: {  	_ =	shalt  }
0x67: {  	_ =	shalt  }
0x68: {  	_ =	shalt  }
0x69: {  	_ =	shalt  }
0x6a: {  	_ =	shalt  }
0x6b: {  	_ =	shalt  }
0x6c: {  	_ =	shalt  }
0x6d: {  	_ =	shalt  }
0x6e: {  	_ =	shalt  }
0x6f: {  	_ =	shalt  }
0x70: {  	_ =	shalt  }
0x71: {  	_ =	shalt  }
0x72: {  	_ =	shalt  }
0x73: {  	_ =	shalt  }
0x74: {  	_ =	shalt  }
0x75: {  	_ =	shalt  }
0x76: {  	_ =	shalt  }
0x77: {  	_ =	shalt  }
0x78: {  	_ =	shalt  }
0x79: {  	_ =	shalt  }
0x7a: {  	_ =	shalt  }
0x7b: {  	_ =	shalt  }
0x7c: {  	_ =	shalt  }
0x7d: {  	_ =	shalt  }
0x7e: {  	_ =	shalt  }
0x7f: {  	_ =	shalt  }
0x80: {  	_ =	shalt  }
0x81: {  	_ =	shalt  }
0x82: {  	_ =	shalt  }
0x83: {  	_ =	shalt  }
0x84: {  	_ =	shalt  }
0x85: {  	_ =	shalt  }
0x86: {  	_ =	shalt  }
0x87: {  	_ =	shalt  }
.Lfunc_end0:
.L_simem_size_0:
called_computation_lowered:
.L_overlay_start_0:
0x88: {  	s2 =	sld [smem:$0x3FD9]  }
0x89: {  	s3 =	sld [smem:$0x3FFE];
	_ =	sdelay $0x1  }
0x8a: {  	s1 =	srdreg.scid  }
0x8b: {  	s0 =	sand.u32 $0x1, s1  }
0x8c: {  	s17 =	sshll.u32 s0, $0xA;
	s2 =	sadd.s32 s3, s2  }
0x8d: {  	s2 =	sadd.s32 s2, s17  }
0x8e: {  	[smem:$0x3FB0] =	sst s2  }
0x8f: {  	_ = 	snop  }
0x90: {  	s2 =	sld [smem:$0x3FC9]  }
0x91: {  	s18 =	sld [smem:$0x3FD0];
	(tm) =	ssettm $0x1  }
0x92: {  	s4 =	sld [smem:$0x3FFB];
	_ =	sdelay $0x3  }
0x93: {  	_ =	strace s4  }
0x94: {  	s4 =	sld [smem:$0x3FFC];
	_ =	sdelay $0x3  }
0x95: {  	_ =	strace s4  }
0x96: {  	s4 =	sld [smem:$0x3FFD];
	_ =	sdelay $0x3  }
0x97: {  	_ =	strace s4  }
0x98: {  	_ =	strace $0x8FFFFFFF  }
0x99: {  	s19 =	sld [smem:$0x3FDB];
	_ =	sdelay $0x1  }
0x9a: {  	s5 =	simm.s32 $_scs_section_size  }
0x9b: {  	s6 =	simm.s32 $_size__tile_overlayer_lowered;
	s7 =	simm.s32 $_tile_overlayer_lowered  }
0x9c: {  	s22 =	simm.s32 $0x1BFF;
	s21 =	sshll.u32 s7, $0x1;
	s4 =	sadd.s32 s5, s19  }
0x9d: {  	s8 =	simm.s32 $0x0;
	s20 =	sshll.u32 s6, $0x1;
	s6 =	sadd.s32 s21, s4  }
0x9e: {  	[timem:s8], [sflag:s22] =	dma.local [hbm:s6], s20  }
0x9f: {  	_ =	swait.ge [sflag:s22], s20  }
0xa0: {  	s5 =	ssub.s32 $0x0, s20;
	[sflag:s22] =	ssyncset.done $0x0  }
0xa1: {  	[sflag:s22] =	ssyncadd.s32 s5;
	_ =	sdelay $0x1  }
0xa2: {  	s23 =	simm.s32 $0x1B8B  }
0xa3: {  	_ =	swait.ge [sflag:s23], $0x1  }
0xa4: {  	[sflag:s23] =	ssyncset.done $0x0  }
0xa5: {  	s25 =	simm.s32 $0x1B8E;
	s24 =	sld [smem:$0x3FFE];
	[sflag:s23] =	ssyncadd.s32 $0xFFFFFFFF  }
0xa6: {  	s26 =	simm.s32 $execute0_lowered;
	[smem:$0x3FD2] =	sst s25  }
0xa7: {  	s6 =	sshll.u32 s26, $0x1;
	_ =	strace $0x80000046;
	[dreg:$0x1] =	wrdreg $0xFFFFFFFF  }
0xa8: {  	s28 =	simm.s32 $_size_execute0_lowered;
	s4 =	sadd.s32 s4, s6;
	[dreg:$0x0] =	wrdreg $0x0  }
0xa9: {  	s6 =	sshll.u32 s28, $0x1;
	[dreg:$0x2] =	wrdreg s4  }
0xaa: {  	[dreg:$0x3] =	wrdreg s6  }
0xab: {  	[dreg:$0x4] =	wrdreg $0xC0  }
0xac: {  	_ =	task [dreg:s8], $0x5FFFF  }
0xad: {  	[dreg:$0x1] =	wrdreg $0xFFFFFFFF  }
0xae: {  	[dreg:$0x0] =	wrdreg $0x60  }
0xaf: {  	[dreg:$0x2] =	wrdreg s2  }
0xb0: {  	[dreg:$0x3] =	wrdreg s18  }
0xb1: {  	[dreg:$0x4] =	wrdreg s24  }
0xb2: {  	[dreg:$0x5] =	wrdreg $0x41000  }
0xb3: {  	[dreg:$0x6] =	wrdreg $0x9  }
0xb4: {  	_ =	task.clear_ibuf [dreg:s8], $0x7FFFF;
	_ =	strace $0x90000046  }
0xb5: {  	s29 =	simm.s32 $0x9;
	_ =	strace $0x80000048  }
0xb6: {  	_ =	swait.ge [sflag:s29], $0x1  }
0xb7: {  	[sflag:s29] =	ssyncadd.s32 $0xFFFFFFFF  }
0xb8: {  	_ =	strace $0x90000048  }
0xb9: {  	_ =	sfence  }
0xba: {  	s30 =	sld [smem:$0x0];
	_ =	sdelay $0x2  }
0xbb: {  	s31 =	sshll.u32 s1, $0xD;
	s1 =	sshrl.u32 s1, $0x2  }
0xbc: {  	s3 =	sand.u32 $0x4000, s31;
	s1 =	sadd.s32 s1, s30  }
0xbd: {  	s0 =	sor.u32 s3, s0;
	s1 =	sshll.u32 s1, $0x11  }
0xbe: {  	s0 =	sor.u32 s1, s0  }
0xbf: {  	s0 =	sadd.s32 $0x8F2B, s0  }
0xc0: {  	[sflag:s0] =	ssyncadd.remote.s32 $0x1  }
0xc1: {  	_ =	sfence.sel $0xFFFF  }
0xc2: {  	[dreg:$0x0] =	wrdreg $0xFFFFFFFF;
	(pc) =	sbr.abs _section_cstart, $3  }
0xc3: {  	[dreg:$0x1] =	wrdreg $0xFFFFFFFF  }
0xc4: {  	_ =	task.clear_ibuf [dreg:s8], $0x2FFFF;
	_ =	strace $0x9FFFFFFF  }
0xc5: {  	(tm) =	ssettm $0x7FFFFFFF  }
tec
execute0_lowered:
.L_overlay_start_1:
0x0: {  	(tag) =	ssettag $0x1  }
0x1: {  	s1 =	rddreg [dreg:$0x0]  }
0x2: {  	s8 =	rddreg [dreg:$0x1]  }
0x3: {  	s5 =	rddreg [dreg:$0x2]  }
0x4: {  	s3 =	rddreg [dreg:$0x3]  }
0x5: {  	s0 =	rddreg [dreg:$0x4];
	s2 =	stileid.u32  }
0x6: {  	s6 =	srdreg.scid;
	s4 =	simm.s32 $0x0;
	s9 =	smul.u32 $0x9E0, s2  }
0x7: {  	s16 =	simm.s32 $0x0;
	s7 =	smul.u32 $0x13C00, s2;
	s6 =	sand.u32 $0x1, s6  }
0x8: {  	[smem:$0x7FF] =	sst s4;
	s14 =	smul.u32 $0x4F000, s2;
	s29 =	sshll.u32 s2, $0x6  }
0x9: {  	s10 =	smul.u32 $0x13C000, s6;
	_ =	strace $0x80000047;
	s26 =	ssub.s32 $0x2, s6  }
0xa: {  	s30 =	smul.u32 $0x4F0, s6;
	s6 =	sor.u32 $0x1C02, s29;
	s11 =	sadd.s32 s9, s5  }
0xb: {  	s12 =	sshrl.u32 s7, $0x3;
	s13 =	sshrl.u32 s26, $0x1;
	s28 =	sshrl.u32 s14, $0x2  }
0xc: {  	s31 =	sadd.s32 s9, s8;
	s14 =	simm.s32 $0x100;
	s7 =	sadd.s32 s7, s10  }
0xd: {  	s12 =	sadd.s32 s12, s5;
	s10 =	ssub.s32 s26, s13;
	s15 =	sadd.s32 s28, s3  }
0xe: {  	s11 =	sadd.s32 s30, s11;
	s13 =	simm.s32 $0x80;
	s7 =	sshrl.u32 s7, $0x3  }
0xf: {  	s8 =	smax.u32 s10, $0x1;
	s9 =	sadd.s32 $0x4600, s11;
	s10 =	sadd.s32 s30, s31  }
0x10: {  	s11 =	sshrl.u32 s15, $0x3;
	s15 =	simm.s32 $0x1;
	s7 =	sadd.s32 s7, s5  }
0x11: {  	s5 =	sadd.s32 $0xE400, s12;
	s12 =	simm.s32 $0x2;
	s7 =	sadd.s32 $0x35C00, s7  }
.LBB2_1:
0x12: {  	[spmem:s11], [sflag:s6] =	dma.local [hbm:s5], $0x2780  }
0x13: {  	_ =	swait.ge [sflag:s12], $0x2780  }
0x14: {  	[sflag:s12] =	ssyncset.done $0x0  }
0x15: {  	[sflag:s12] =	ssyncadd.s32 $0xFFFFD880  }
0x16: {  	s17 =	sadd.s32 $0x0, s10;
	[bflag:$0x0] =	sbarrier.arrive $0xFFFF  }
0x17: {  	[tilespmem:s4], [sflag:$0x2] =	stream.linear.gather [hbm4b:s17+s4], $0x80, $0x38;
	[tilespmem:$0x17D00] =	vst v63  }
0x18: {  	_ =	swait.ge [sflag:s12], $0x80  }
0x19: {  	[sflag:s12] =	ssyncset.done $0x0  }
0x1a: {  	s31 =	sadd.s32 $0x0, s9;
	[sflag:s12] =	ssyncadd.s32 $0xFFFFFF80  }
0x1b: {  	[tilespmem:s13], [sflag:$0x2] =	stream.linear.gather [hbm4b:s31+s4], $0x80, $0x38;
	[tilespmem:$0x17D00] =	vst v63  }
0x1c: {  	_ =	swait.ge [sflag:s12], $0x80  }
0x1d: {  	[sflag:s12] =	ssyncset.done $0x0  }
0x1e: {  	[sflag:s12] =	ssyncadd.s32 $0xFFFFFF80  }
0x1f: {  	[tilespmem:s14], [sflag:$0x1] =	stream.indirect.gather [hbm4b:s1+s13], $0x80, s4, s13, $0xb8;
	[tilespmem:$0x17D00] =	vst v63  }
0x20: {  	_ =	swait.ge [sflag:s15], $0x4000  }
0x21: {  	[sflag:s15] =	ssyncset.done $0x0  }
0x22: {  	[sflag:s15] =	ssyncadd.s32 $0xFFFFC000  }
0x23: {  	[spmem:s3] =	stream.indirect.scatter.add.f32 [tilespmem:s14], [sflag:$0x2], $0x80, s13, s13, $0xb8;
	[tilespmem:$0x17D00] =	vst v63  }
0x24: {  	_ =	swait.ge [sflag:s12], $0x4000  }
0x25: {  	s18 =	simm.s32 $0x20;
	s17 =	simm.s32 $0x10;
	[sflag:s12] =	ssyncset.done $0x0  }
.LBB2_2:
0x26: {  	s19 =	sadd.s32 s17, s10  }
0x27: {  	[sflag:s12] =	ssyncadd.s32 $0xFFFFC000;
	s20 =	smov.u32 s18;
	s21 =	sadd.s32 $0x10, s18  }
0x28: {  	[tilespmem:s4], [sflag:$0x2] =	stream.linear.gather [hbm4b:s19+s4], $0x80, $0x38;
	[tilespmem:$0x17D00] =	vst v63  }
0x29: {  	p0 =	sne.s32 s18, $0x4E0;
	_ =	swait.ge [sflag:s12], $0x80  }
0x2a: {  	[sflag:s12] =	ssyncset.done $0x0  }
0x2b: {  	s18 =	sadd.s32 s17, s9;
	s17 =	smov.u32 s20;
	[sflag:s12] =	ssyncadd.s32 $0xFFFFFF80  }
0x2c: {  	[tilespmem:s13], [sflag:$0x2] =	stream.linear.gather [hbm4b:s18+s4], $0x80, $0x38;
	[tilespmem:$0x17D00] =	vst v63  }
0x2d: {  	_ =	swait.ge [sflag:s12], $0x80  }
0x2e: {  	[sflag:s12] =	ssyncset.done $0x0  }
0x2f: {  	[sflag:s12] =	ssyncadd.s32 $0xFFFFFF80  }
0x30: {  	[tilespmem:s14], [sflag:$0x1] =	stream.indirect.gather [hbm4b:s1+s13], $0x80, s4, s13, $0xb8;
	[tilespmem:$0x17D00] =	vst v63  }
0x31: {  	_ =	swait.ge [sflag:s15], $0x4000  }
.Ltmp0:
0x32: {  	[sflag:s15] =	ssyncset.done $0x0;
	(pc) =	sbr.rel @p0 .LBB2_2-.Ltmp0, $4  }
0x33: {  	[sflag:s15] =	ssyncadd.s32 $0xFFFFC000  }
0x34: {  	[spmem:s3] =	stream.indirect.scatter.add.f32 [tilespmem:s14], [sflag:$0x2], $0x80, s13, s13, $0xb8;
	[tilespmem:$0x17D00] =	vst v63  }
0x35: {  	_ =	swait.ge [sflag:s12], $0x4000  }
0x36: {  	s18 =	smov.u32 s21;
	[sflag:s12] =	ssyncset.done $0x0  }
0x37: {  	s18 =	sadd.s32 s17, s10;
	[sflag:s12] =	ssyncadd.s32 $0xFFFFC000  }
0x38: {  	[tilespmem:s4], [sflag:$0x2] =	stream.linear.gather [hbm4b:s18+s4], $0x80, $0x38;
	[tilespmem:$0x17D00] =	vst v63  }
0x39: {  	_ =	swait.ge [sflag:s12], $0x80  }
0x3a: {  	[sflag:s12] =	ssyncset.done $0x0  }
0x3b: {  	s31 =	sadd.s32 s17, s9;
	[sflag:s12] =	ssyncadd.s32 $0xFFFFFF80  }
0x3c: {  	[tilespmem:s13], [sflag:$0x2] =	stream.linear.gather [hbm4b:s31+s4], $0x80, $0x38;
	[tilespmem:$0x17D00] =	vst v63  }
0x3d: {  	_ =	swait.ge [sflag:s12], $0x80  }
0x3e: {  	[sflag:s12] =	ssyncset.done $0x0  }
0x3f: {  	[sflag:s12] =	ssyncadd.s32 $0xFFFFFF80  }
0x40: {  	[tilespmem:s14], [sflag:$0x1] =	stream.indirect.gather [hbm4b:s1+s13], $0x80, s4, s13, $0xb8;
	[tilespmem:$0x17D00] =	vst v63  }
0x41: {  	_ =	swait.ge [sflag:s15], $0x4000  }
0x42: {  	[sflag:s15] =	ssyncset.done $0x0  }
0x43: {  	[sflag:s15] =	ssyncadd.s32 $0xFFFFC000  }
0x44: {  	[spmem:s3] =	stream.indirect.scatter.add.f32 [tilespmem:s14], [sflag:$0x2], $0x80, s13, s13, $0xb8;
	[tilespmem:$0x17D00] =	vst v63  }
0x45: {  	_ =	swait.ge [sflag:s12], $0x4000  }
0x46: {  	s16 =	sadd.s32 $0x1, s16;
	[sflag:s12] =	ssyncset.done $0x0  }
0x47: {  	p0 =	sne.s32 s16, s8;
	[sflag:s12] =	ssyncadd.s32 $0xFFFFC000  }
.Ltmp1:
0x48: {  	[bflag:$0x0] =	sbarrier.arrive $0xFFFF;
	(pc) =	sbr.rel @p0 .LBB2_1-.Ltmp1, $4  }
0x49: {  	[hbm:s7], [sflag:s6] =	dma.local [spmem:s11], $0x2780  }
0x4a: {  	_ =	swait.ge [sflag:s12], $0x2780  }
0x4b: {  	[sflag:s12] =	ssyncset.done $0x0  }
0x4c: {  	[sflag:s12] =	ssyncadd.s32 $0xFFFFD880  }
0x4d: {  	_ =	sfence.sel $0x180000  }
0x4e: {  	[bflag:$0x0] =	sbarrier.arrive $0xFFFF  }
0x4f: {  	p0 =	sne.s32 s2, $0x0;
	_ =	strace $0x90000047  }
0x50: {  	s0 =	sadd.s32 @!p0 $0x100000, s0;
	[bflag:$0x2] =	sbarrier.arrive $0xFFFF  }
0x51: {  	[sflag:s0] =	ssyncadd.tile.s32 @!p0 $0x1;
	_ =	shalt  }
.Lfunc_end2:
_tile_overlayer_lowered:
.L_overlay_start_2:
0x52: {  	(tag) =	ssettag $0x2  }
0x53: {  	s0 =	rddreg [dreg:$0x0];
	s2 =	stileid.u32  }
0x54: {  	s1 =	rddreg [dreg:$0x1];
	p0 =	sne.s32 s2, $0x0  }
0x55: {  	s3 =	rddreg [dreg:$0x2];
	[bflag:$0x3] =	sbarrier.arrive $0xFFFF;
	s2 =	simm.s32 @!p0 $0x1C02  }
0x56: {  	[timem:s3], [sflag:s2] =	dma.local @!p0 [hbm:s0], s1  }
0x57: {  	s0 =	simm.s32 @!p0 $0x2  }
0x58: {  	_ =	swait.ge @!p0 [sflag:s0], s1  }
0x59: {  	s1 =	ssub.s32 @!p0 $0x0, s1;
	[sflag:s0] =	ssyncset.done @!p0 $0x0  }
0x5a: {  	[sflag:s0] =	ssyncadd.s32 @!p0 s1  }
0x5b: {  	[bflag:$0x3] =	sbarrier.arrive $0xFFFF  }
0x5c: {  	_ =	shalt  }

</sc_bundles>
